<compile_context>
chip_gen: v7x
topology: tpu7x:2x2x1
jax: 0.10.2.dev20260603
libtpu: 0.0.44.dev20260713+nightly
codegen_flags: <defaults>
</compile_context>

<pallas_src>
import functools

import jax
import jax.numpy as jnp
from jax import lax
from jax.experimental import pallas as pl
from jax.experimental.pallas import tpu as pltpu
from jax.experimental.pallas import tpu_sc as plsc


def _make_gather(S, B0, V, D):
    L = 128
    NTB = B0 // L
    TD = D // 8
    n_chunks = S * NTB
    info = plsc.get_sparse_core_info()
    NW = info.num_cores * info.num_subcores
    c_per_w = n_chunks // NW
    NB = 4
    n_groups = c_per_w // NB

    mesh = plsc.VectorSubcoreMesh(core_axis_name="c", subcore_axis_name="s")

    @functools.partial(
        pl.kernel,
        mesh=mesh,
        out_type=jax.ShapeDtypeStruct((S, TD, NTB, 8 * L), jnp.float32),
        scratch_types=[
            [pltpu.VMEM((L,), jnp.int32) for _ in range(NB)],
            [pltpu.VMEM((L, D), jnp.float32) for _ in range(NB)],
            [pltpu.VMEM((TD, 8 * L), jnp.float32) for _ in range(NB)],
            [pltpu.SemaphoreType.DMA for _ in range(NB)],
            [pltpu.SemaphoreType.DMA for _ in range(NB)],
            [pltpu.SemaphoreType.DMA for _ in range(NB)],
        ],
        compiler_params=pltpu.CompilerParams(
            use_tc_tiling_on_sc=False, needs_layout_passes=False),
    )
    def gather_kernel(idx_hbm, table_hbm, out_hbm, idx_v, rows_v, tile_v,
                      sem_i, sem_g, sem_o):
        wid = lax.axis_index("s") * info.num_cores + lax.axis_index("c")
        cbase = wid * c_per_w
        iota16 = lax.iota(jnp.int32, 16)

        def idx_src(c):
            s, tb = c // NTB, lax.rem(c, NTB)
            return idx_hbm.at[s, pl.ds(tb * L, L)]

        def out_dst(c):
            s, tb = c // NTB, lax.rem(c, NTB)
            return out_hbm.at[s, :, tb]

        for b in range(NB):
            pltpu.async_copy(idx_src(cbase + b), idx_v[b], sem_i[b])

        def transpose_chunk(b):
            @plsc.parallel_loop(0, (L // 16) * D, unroll=8)
            def tbody(i):
                d = i & (D - 1)
                off = (i // D) * 16
                bc = iota16 + off
                dvec = jnp.full((16,), 0, jnp.int32) + d
                v = plsc.load_gather(rows_v[b], [bc, dvec])
                tile_v[b][d // 8, pl.ds((d % 8) * L + off, 16)] = v

        def body(g, carry):
            g0 = cbase + g * NB
            for b in range(NB):
                pltpu.make_async_copy(idx_src(g0 + b), idx_v[b],
                                      sem_i[b]).wait()
                pltpu.async_copy(table_hbm.at[idx_v[b]], rows_v[b], sem_g[b])
            for b in range(NB):
                c = g0 + b
                pltpu.make_async_copy(table_hbm.at[idx_v[b]], rows_v[b],
                                      sem_g[b]).wait()
                nc = jnp.minimum(c + NB, n_chunks - 1)
                pltpu.async_copy(idx_src(nc), idx_v[b], sem_i[b])

                @pl.when(g != 0)
                def _():
                    pltpu.make_async_copy(tile_v[b], out_dst(c - NB),
                                          sem_o[b]).wait()

                transpose_chunk(b)
                pltpu.async_copy(tile_v[b], out_dst(c), sem_o[b])
            return carry

        lax.fori_loop(0, n_groups, body, 0)

        for b in range(NB):
            c = cbase + (n_groups - 1) * NB + b
            pltpu.make_async_copy(tile_v[b], out_dst(c), sem_o[b]).wait()
            pltpu.make_async_copy(idx_src(c), idx_v[b], sem_i[b]).wait()

    return gather_kernel


def kernel(data, table):
    B0, S = data.shape
    V, D = table.shape
    out5 = _make_gather(S, B0, V, D)(data.T, table)
    out5 = out5.reshape(S, D // 8, B0 // 128, 8, 128)
    return out5.transpose((2, 4, 0, 1, 3)).reshape(B0, S, D)

# --- scband reference (transcript-rebuilt; emitter-appended) ---
"""Pipeline reference for scband-word2-vec-27324581937379 (READ-ONLY COPY).

The authoritative reference and input builder live on the scoring server;
editing this copy changes nothing except your own understanding.
"""

import jax, jax.numpy as jnp
import numpy as np

VOCAB = 1000000
EMBED = 64
PAD_IDX = 0


def setup_inputs(seed: int = 0) -> dict:
    key = jax.random.key(seed)
    k1, k2 = jax.random.split(key)
    data = jax.random.randint(k1, (16384, 50), 0, VOCAB, dtype=jnp.int64 if jax.config.jax_enable_x64 else jnp.int32).astype(jnp.int32)
    table = jax.random.normal(k2, (VOCAB, EMBED), dtype=jnp.float32)
    # nn.Embedding with padding_idx zeros the padding row at init
    table = table.at[PAD_IDX].set(0.0)
    return {"data": data, "table": table}


def reference(data, table):
    # Word2Vec.forward -> forward_i -> embedding lookup (gather rows of table)
    return jnp.take(table, data, axis=0)

if __name__ == "__main__":
    import jax
    _d = setup_inputs()
    print(jax.jit(kernel)(*tuple(_d.values())))

</pallas_src>

<mosaic_0001>
#map = affine_map<(d0, d1) -> (0, 0)>
#map1 = affine_map<(d0, d1) -> (0, 0, 0, 0)>
module attributes {stable_mosaic.version = 14 : i64} {
  func.func @gather_kernel(%arg0: i32, %arg1: i32, %arg2: memref<50x16384xi32, #tpu.memory_space<hbm>>, %arg3: memref<1000000x64xf32, #tpu.memory_space<hbm>>, %arg4: memref<50x8x128x1024xf32, #tpu.memory_space<hbm>>, %arg5: memref<128xi32, #tpu.memory_space<vmem>>, %arg6: memref<128xi32, #tpu.memory_space<vmem>>, %arg7: memref<128xi32, #tpu.memory_space<vmem>>, %arg8: memref<128xi32, #tpu.memory_space<vmem>>, %arg9: memref<128x64xf32, #tpu.memory_space<vmem>>, %arg10: memref<128x64xf32, #tpu.memory_space<vmem>>, %arg11: memref<128x64xf32, #tpu.memory_space<vmem>>, %arg12: memref<128x64xf32, #tpu.memory_space<vmem>>, %arg13: memref<8x1024xf32, #tpu.memory_space<vmem>>, %arg14: memref<8x1024xf32, #tpu.memory_space<vmem>>, %arg15: memref<8x1024xf32, #tpu.memory_space<vmem>>, %arg16: memref<8x1024xf32, #tpu.memory_space<vmem>>, %arg17: memref<!tpu.dma_semaphore, #tpu.memory_space<semaphore_mem>>, %arg18: memref<!tpu.dma_semaphore, #tpu.memory_space<semaphore_mem>>, %arg19: memref<!tpu.dma_semaphore, #tpu.memory_space<semaphore_mem>>, %arg20: memref<!tpu.dma_semaphore, #tpu.memory_space<semaphore_mem>>, %arg21: memref<!tpu.dma_semaphore, #tpu.memory_space<semaphore_mem>>, %arg22: memref<!tpu.dma_semaphore, #tpu.memory_space<semaphore_mem>>, %arg23: memref<!tpu.dma_semaphore, #tpu.memory_space<semaphore_mem>>, %arg24: memref<!tpu.dma_semaphore, #tpu.memory_space<semaphore_mem>>, %arg25: memref<!tpu.dma_semaphore, #tpu.memory_space<semaphore_mem>>, %arg26: memref<!tpu.dma_semaphore, #tpu.memory_space<semaphore_mem>>, %arg27: memref<!tpu.dma_semaphore, #tpu.memory_space<semaphore_mem>>, %arg28: memref<!tpu.dma_semaphore, #tpu.memory_space<semaphore_mem>>) attributes {dimension_semantics = [#tpu.dimension_semantics<core_parallel>, #tpu.dimension_semantics<subcore_parallel>], iteration_bounds = array<i64: 2, 16>, scalar_prefetch = 0 : i64, scratch_operands = 24 : i64, tpu.core_type = #tpu.core_type<sc_vector_subcore>, window_params = [{transform_indices = #map}, {transform_indices = #map}, {transform_indices = #map1}]} {
    %mul3A = arith.constant 2 : i32
    %mul3A_0 = arith.muli %arg1, %mul3A : i32
    %add3A = arith.addi %mul3A_0, %arg0 : i32
    %mul3A_1 = arith.constant 200 : i32
    %mul3A_2 = arith.muli %add3A, %mul3A_1 : i32
    %iota3A = tpu.iota {dimensions = array<i32: 0>} : vector<16xi32>
    %add3A_3 = arith.constant 0 : i32
    %add3A_4 = arith.addi %mul3A_2, %add3A_3 : i32
    %jit3A = arith.constant 128 : i32
    %div3A = arith.divsi %add3A_4, %jit3A : i32
    %sign3A = arith.constant 0 : i32
    %sign3A_5 = arith.cmpi sgt, %add3A_4, %sign3A : i32
    %sign3A_6 = arith.extui %sign3A_5 : i1 to i32
    %sign3A_7 = arith.constant 0 : i32
    %sign3A_8 = arith.cmpi slt, %add3A_4, %sign3A_7 : i32
    %sign3A_9 = arith.extui %sign3A_8 : i1 to i32
    %sign3A_10 = arith.subi %sign3A_6, %sign3A_9 : i32
    %sign3A_11 = arith.constant 0 : i32
    %sign3A_12 = arith.cmpi sgt, %jit3A, %sign3A_11 : i32
    %sign3A_13 = arith.extui %sign3A_12 : i1 to i32
    %sign3A_14 = arith.constant 0 : i32
    %sign3A_15 = arith.cmpi slt, %jit3A, %sign3A_14 : i32
    %sign3A_16 = arith.extui %sign3A_15 : i1 to i32
    %sign3A_17 = arith.subi %sign3A_13, %sign3A_16 : i32
    %ne3A = arith.cmpi ne, %sign3A_10, %sign3A_17 : i32
    %rem3A = arith.remsi %add3A_4, %jit3A : i32
    %ne3A_18 = arith.constant 0 : i32
    %ne3A_19 = arith.cmpi ne, %rem3A, %ne3A_18 : i32
    %and3A = arith.andi %ne3A, %ne3A_19 : i1
    %sub3A = arith.constant 1 : i32
    %sub3A_20 = arith.subi %div3A, %sub3A : i32
    %select_n3A = arith.select %and3A, %sub3A_20, %div3A : i32
    %rem3A_21 = arith.constant 128 : i32
    %rem3A_22 = arith.remsi %add3A_4, %rem3A_21 : i32
    %mul3A_23 = arith.constant 128 : i32
    %mul3A_24 = arith.muli %rem3A_22, %mul3A_23 : i32
    %dma_start3A = tpu.memref_slice %arg2[%select_n3A, %mul3A_24] : memref<50x16384xi32, #tpu.memory_space<hbm>> -> memref<1x128xi32, #tpu.memory_space<hbm>>
    %dma_start3A_25 = tpu.memref_squeeze %dma_start3A : memref<1x128xi32, #tpu.memory_space<hbm>> -> memref<128xi32, #tpu.memory_space<hbm>>
    %dma_start3A_26 = tpu.memref_slice %arg2[%select_n3A, %mul3A_24] : memref<50x16384xi32, #tpu.memory_space<hbm>> -> memref<1x128xi32, #tpu.memory_space<hbm>>
    %dma_start3A_27 = tpu.memref_squeeze %dma_start3A_26 : memref<1x128xi32, #tpu.memory_space<hbm>> -> memref<128xi32, #tpu.memory_space<hbm>>
    tpu.enqueue_dma source(%dma_start3A_27 : memref<128xi32, #tpu.memory_space<hbm>>) target(%arg5 : memref<128xi32, #tpu.memory_space<vmem>>) target_semaphore(%arg17 : memref<!tpu.dma_semaphore, #tpu.memory_space<semaphore_mem>>)
    %add3A_28 = arith.constant 1 : i32
    %add3A_29 = arith.addi %mul3A_2, %add3A_28 : i32
    %jit3A_30 = arith.constant 128 : i32
    %div3A_31 = arith.divsi %add3A_29, %jit3A_30 : i32
    %sign3A_32 = arith.constant 0 : i32
    %sign3A_33 = arith.cmpi sgt, %add3A_29, %sign3A_32 : i32
    %sign3A_34 = arith.extui %sign3A_33 : i1 to i32
    %sign3A_35 = arith.constant 0 : i32
    %sign3A_36 = arith.cmpi slt, %add3A_29, %sign3A_35 : i32
    %sign3A_37 = arith.extui %sign3A_36 : i1 to i32
    %sign3A_38 = arith.subi %sign3A_34, %sign3A_37 : i32
    %sign3A_39 = arith.constant 0 : i32
    %sign3A_40 = arith.cmpi sgt, %jit3A_30, %sign3A_39 : i32
    %sign3A_41 = arith.extui %sign3A_40 : i1 to i32
    %sign3A_42 = arith.constant 0 : i32
    %sign3A_43 = arith.cmpi slt, %jit3A_30, %sign3A_42 : i32
    %sign3A_44 = arith.extui %sign3A_43 : i1 to i32
    %sign3A_45 = arith.subi %sign3A_41, %sign3A_44 : i32
    %ne3A_46 = arith.cmpi ne, %sign3A_38, %sign3A_45 : i32
    %rem3A_47 = arith.remsi %add3A_29, %jit3A_30 : i32
    %ne3A_48 = arith.constant 0 : i32
    %ne3A_49 = arith.cmpi ne, %rem3A_47, %ne3A_48 : i32
    %and3A_50 = arith.andi %ne3A_46, %ne3A_49 : i1
    %sub3A_51 = arith.constant 1 : i32
    %sub3A_52 = arith.subi %div3A_31, %sub3A_51 : i32
    %select_n3A_53 = arith.select %and3A_50, %sub3A_52, %div3A_31 : i32
    %rem3A_54 = arith.constant 128 : i32
    %rem3A_55 = arith.remsi %add3A_29, %rem3A_54 : i32
    %mul3A_56 = arith.constant 128 : i32
    %mul3A_57 = arith.muli %rem3A_55, %mul3A_56 : i32
    %dma_start3A_58 = tpu.memref_slice %arg2[%select_n3A_53, %mul3A_57] : memref<50x16384xi32, #tpu.memory_space<hbm>> -> memref<1x128xi32, #tpu.memory_space<hbm>>
    %dma_start3A_59 = tpu.memref_squeeze %dma_start3A_58 : memref<1x128xi32, #tpu.memory_space<hbm>> -> memref<128xi32, #tpu.memory_space<hbm>>
    %dma_start3A_60 = tpu.memref_slice %arg2[%select_n3A_53, %mul3A_57] : memref<50x16384xi32, #tpu.memory_space<hbm>> -> memref<1x128xi32, #tpu.memory_space<hbm>>
    %dma_start3A_61 = tpu.memref_squeeze %dma_start3A_60 : memref<1x128xi32, #tpu.memory_space<hbm>> -> memref<128xi32, #tpu.memory_space<hbm>>
    tpu.enqueue_dma source(%dma_start3A_61 : memref<128xi32, #tpu.memory_space<hbm>>) target(%arg6 : memref<128xi32, #tpu.memory_space<vmem>>) target_semaphore(%arg18 : memref<!tpu.dma_semaphore, #tpu.memory_space<semaphore_mem>>)
    %add3A_62 = arith.constant 2 : i32
    %add3A_63 = arith.addi %mul3A_2, %add3A_62 : i32
    %jit3A_64 = arith.constant 128 : i32
    %div3A_65 = arith.divsi %add3A_63, %jit3A_64 : i32
    %sign3A_66 = arith.constant 0 : i32
    %sign3A_67 = arith.cmpi sgt, %add3A_63, %sign3A_66 : i32
    %sign3A_68 = arith.extui %sign3A_67 : i1 to i32
    %sign3A_69 = arith.constant 0 : i32
    %sign3A_70 = arith.cmpi slt, %add3A_63, %sign3A_69 : i32
    %sign3A_71 = arith.extui %sign3A_70 : i1 to i32
    %sign3A_72 = arith.subi %sign3A_68, %sign3A_71 : i32
    %sign3A_73 = arith.constant 0 : i32
    %sign3A_74 = arith.cmpi sgt, %jit3A_64, %sign3A_73 : i32
    %sign3A_75 = arith.extui %sign3A_74 : i1 to i32
    %sign3A_76 = arith.constant 0 : i32
    %sign3A_77 = arith.cmpi slt, %jit3A_64, %sign3A_76 : i32
    %sign3A_78 = arith.extui %sign3A_77 : i1 to i32
    %sign3A_79 = arith.subi %sign3A_75, %sign3A_78 : i32
    %ne3A_80 = arith.cmpi ne, %sign3A_72, %sign3A_79 : i32
    %rem3A_81 = arith.remsi %add3A_63, %jit3A_64 : i32
    %ne3A_82 = arith.constant 0 : i32
    %ne3A_83 = arith.cmpi ne, %rem3A_81, %ne3A_82 : i32
    %and3A_84 = arith.andi %ne3A_80, %ne3A_83 : i1
    %sub3A_85 = arith.constant 1 : i32
    %sub3A_86 = arith.subi %div3A_65, %sub3A_85 : i32
    %select_n3A_87 = arith.select %and3A_84, %sub3A_86, %div3A_65 : i32
    %rem3A_88 = arith.constant 128 : i32
    %rem3A_89 = arith.remsi %add3A_63, %rem3A_88 : i32
    %mul3A_90 = arith.constant 128 : i32
    %mul3A_91 = arith.muli %rem3A_89, %mul3A_90 : i32
    %dma_start3A_92 = tpu.memref_slice %arg2[%select_n3A_87, %mul3A_91] : memref<50x16384xi32, #tpu.memory_space<hbm>> -> memref<1x128xi32, #tpu.memory_space<hbm>>
    %dma_start3A_93 = tpu.memref_squeeze %dma_start3A_92 : memref<1x128xi32, #tpu.memory_space<hbm>> -> memref<128xi32, #tpu.memory_space<hbm>>
    %dma_start3A_94 = tpu.memref_slice %arg2[%select_n3A_87, %mul3A_91] : memref<50x16384xi32, #tpu.memory_space<hbm>> -> memref<1x128xi32, #tpu.memory_space<hbm>>
    %dma_start3A_95 = tpu.memref_squeeze %dma_start3A_94 : memref<1x128xi32, #tpu.memory_space<hbm>> -> memref<128xi32, #tpu.memory_space<hbm>>
    tpu.enqueue_dma source(%dma_start3A_95 : memref<128xi32, #tpu.memory_space<hbm>>) target(%arg7 : memref<128xi32, #tpu.memory_space<vmem>>) target_semaphore(%arg19 : memref<!tpu.dma_semaphore, #tpu.memory_space<semaphore_mem>>)
    %add3A_96 = arith.constant 3 : i32
    %add3A_97 = arith.addi %mul3A_2, %add3A_96 : i32
    %jit3A_98 = arith.constant 128 : i32
    %div3A_99 = arith.divsi %add3A_97, %jit3A_98 : i32
    %sign3A_100 = arith.constant 0 : i32
    %sign3A_101 = arith.cmpi sgt, %add3A_97, %sign3A_100 : i32
    %sign3A_102 = arith.extui %sign3A_101 : i1 to i32
    %sign3A_103 = arith.constant 0 : i32
    %sign3A_104 = arith.cmpi slt, %add3A_97, %sign3A_103 : i32
    %sign3A_105 = arith.extui %sign3A_104 : i1 to i32
    %sign3A_106 = arith.subi %sign3A_102, %sign3A_105 : i32
    %sign3A_107 = arith.constant 0 : i32
    %sign3A_108 = arith.cmpi sgt, %jit3A_98, %sign3A_107 : i32
    %sign3A_109 = arith.extui %sign3A_108 : i1 to i32
    %sign3A_110 = arith.constant 0 : i32
    %sign3A_111 = arith.cmpi slt, %jit3A_98, %sign3A_110 : i32
    %sign3A_112 = arith.extui %sign3A_111 : i1 to i32
    %sign3A_113 = arith.subi %sign3A_109, %sign3A_112 : i32
    %ne3A_114 = arith.cmpi ne, %sign3A_106, %sign3A_113 : i32
    %rem3A_115 = arith.remsi %add3A_97, %jit3A_98 : i32
    %ne3A_116 = arith.constant 0 : i32
    %ne3A_117 = arith.cmpi ne, %rem3A_115, %ne3A_116 : i32
    %and3A_118 = arith.andi %ne3A_114, %ne3A_117 : i1
    %sub3A_119 = arith.constant 1 : i32
    %sub3A_120 = arith.subi %div3A_99, %sub3A_119 : i32
    %select_n3A_121 = arith.select %and3A_118, %sub3A_120, %div3A_99 : i32
    %rem3A_122 = arith.constant 128 : i32
    %rem3A_123 = arith.remsi %add3A_97, %rem3A_122 : i32
    %mul3A_124 = arith.constant 128 : i32
    %mul3A_125 = arith.muli %rem3A_123, %mul3A_124 : i32
    %dma_start3A_126 = tpu.memref_slice %arg2[%select_n3A_121, %mul3A_125] : memref<50x16384xi32, #tpu.memory_space<hbm>> -> memref<1x128xi32, #tpu.memory_space<hbm>>
    %dma_start3A_127 = tpu.memref_squeeze %dma_start3A_126 : memref<1x128xi32, #tpu.memory_space<hbm>> -> memref<128xi32, #tpu.memory_space<hbm>>
    %dma_start3A_128 = tpu.memref_slice %arg2[%select_n3A_121, %mul3A_125] : memref<50x16384xi32, #tpu.memory_space<hbm>> -> memref<1x128xi32, #tpu.memory_space<hbm>>
    %dma_start3A_129 = tpu.memref_squeeze %dma_start3A_128 : memref<1x128xi32, #tpu.memory_space<hbm>> -> memref<128xi32, #tpu.memory_space<hbm>>
    tpu.enqueue_dma source(%dma_start3A_129 : memref<128xi32, #tpu.memory_space<hbm>>) target(%arg8 : memref<128xi32, #tpu.memory_space<vmem>>) target_semaphore(%arg20 : memref<!tpu.dma_semaphore, #tpu.memory_space<semaphore_mem>>)
    %scan3A = arith.constant 0 : i32
    %scan3A_130 = arith.constant 0 : i32
    %scan3A_131 = arith.constant 50 : i32
    %scan3A_132 = arith.addi %scan3A_130, %scan3A_131 : i32
    %scan3A_133 = arith.constant 1 : i32
    scf.for %scan3A_414 = %scan3A_130 to %scan3A_132 step %scan3A_133  : i32 {
      %mul3A_415 = arith.constant 4 : i32
      %mul3A_416 = arith.muli %scan3A_414, %mul3A_415 : i32
      %add3A_417 = arith.addi %mul3A_2, %mul3A_416 : i32
      %add3A_418 = arith.constant 0 : i32
      %add3A_419 = arith.addi %add3A_417, %add3A_418 : i32
      %jit3A_420 = arith.constant 128 : i32
      %div3A_421 = arith.divsi %add3A_419, %jit3A_420 : i32
      %sign3A_422 = arith.constant 0 : i32
      %sign3A_423 = arith.cmpi sgt, %add3A_419, %sign3A_422 : i32
      %sign3A_424 = arith.extui %sign3A_423 : i1 to i32
      %sign3A_425 = arith.constant 0 : i32
      %sign3A_426 = arith.cmpi slt, %add3A_419, %sign3A_425 : i32
      %sign3A_427 = arith.extui %sign3A_426 : i1 to i32
      %sign3A_428 = arith.subi %sign3A_424, %sign3A_427 : i32
      %sign3A_429 = arith.constant 0 : i32
      %sign3A_430 = arith.cmpi sgt, %jit3A_420, %sign3A_429 : i32
      %sign3A_431 = arith.extui %sign3A_430 : i1 to i32
      %sign3A_432 = arith.constant 0 : i32
      %sign3A_433 = arith.cmpi slt, %jit3A_420, %sign3A_432 : i32
      %sign3A_434 = arith.extui %sign3A_433 : i1 to i32
      %sign3A_435 = arith.subi %sign3A_431, %sign3A_434 : i32
      %ne3A_436 = arith.cmpi ne, %sign3A_428, %sign3A_435 : i32
      %rem3A_437 = arith.remsi %add3A_419, %jit3A_420 : i32
      %ne3A_438 = arith.constant 0 : i32
      %ne3A_439 = arith.cmpi ne, %rem3A_437, %ne3A_438 : i32
      %and3A_440 = arith.andi %ne3A_436, %ne3A_439 : i1
      %sub3A_441 = arith.constant 1 : i32
      %sub3A_442 = arith.subi %div3A_421, %sub3A_441 : i32
      %select_n3A_443 = arith.select %and3A_440, %sub3A_442, %div3A_421 : i32
      %rem3A_444 = arith.constant 128 : i32
      %rem3A_445 = arith.remsi %add3A_419, %rem3A_444 : i32
      %mul3A_446 = arith.constant 128 : i32
      %mul3A_447 = arith.muli %rem3A_445, %mul3A_446 : i32
      %dma_wait3A_448 = tpu.memref_slice %arg2[%select_n3A_443, %mul3A_447] : memref<50x16384xi32, #tpu.memory_space<hbm>> -> memref<1x128xi32, #tpu.memory_space<hbm>>
      %dma_wait3A_449 = tpu.memref_squeeze %dma_wait3A_448 : memref<1x128xi32, #tpu.memory_space<hbm>> -> memref<128xi32, #tpu.memory_space<hbm>>
      %dma_wait3A_450 = tpu.memref_slice %arg2[%select_n3A_443, %mul3A_447] : memref<50x16384xi32, #tpu.memory_space<hbm>> -> memref<1x128xi32, #tpu.memory_space<hbm>>
      %dma_wait3A_451 = tpu.memref_squeeze %dma_wait3A_450 : memref<1x128xi32, #tpu.memory_space<hbm>> -> memref<128xi32, #tpu.memory_space<hbm>>
      tpu.wait_dma2 semaphore(%arg17 : memref<!tpu.dma_semaphore, #tpu.memory_space<semaphore_mem>>) src(%dma_wait3A_451 : memref<128xi32, #tpu.memory_space<hbm>>) dst(%arg5 : memref<128xi32, #tpu.memory_space<vmem>>)
      %dma_start3A_452 = arith.constant 0 : i32
      %dma_start3A_453 = arith.constant 0 : i32
      %dma_start3A_454 = tpu.memref_slice %arg3[%dma_start3A_452, %dma_start3A_453] : memref<1000000x64xf32, #tpu.memory_space<hbm>> -> memref<1000000x64xf32, #tpu.memory_space<hbm>>
      tpu.enqueue_indirect_dma source(%dma_start3A_454 : memref<1000000x64xf32, #tpu.memory_space<hbm>>) target(%arg9 : memref<128x64xf32, #tpu.memory_space<vmem>>) offsets(%arg5 : memref<128xi32, #tpu.memory_space<vmem>>) semaphore(%arg21 : memref<!tpu.dma_semaphore, #tpu.memory_space<semaphore_mem>>)
      %add3A_455 = arith.constant 1 : i32
      %add3A_456 = arith.addi %add3A_417, %add3A_455 : i32
      %jit3A_457 = arith.constant 128 : i32
      %div3A_458 = arith.divsi %add3A_456, %jit3A_457 : i32
      %sign3A_459 = arith.constant 0 : i32
      %sign3A_460 = arith.cmpi sgt, %add3A_456, %sign3A_459 : i32
      %sign3A_461 = arith.extui %sign3A_460 : i1 to i32
      %sign3A_462 = arith.constant 0 : i32
      %sign3A_463 = arith.cmpi slt, %add3A_456, %sign3A_462 : i32
      %sign3A_464 = arith.extui %sign3A_463 : i1 to i32
      %sign3A_465 = arith.subi %sign3A_461, %sign3A_464 : i32
      %sign3A_466 = arith.constant 0 : i32
      %sign3A_467 = arith.cmpi sgt, %jit3A_457, %sign3A_466 : i32
      %sign3A_468 = arith.extui %sign3A_467 : i1 to i32
      %sign3A_469 = arith.constant 0 : i32
      %sign3A_470 = arith.cmpi slt, %jit3A_457, %sign3A_469 : i32
      %sign3A_471 = arith.extui %sign3A_470 : i1 to i32
      %sign3A_472 = arith.subi %sign3A_468, %sign3A_471 : i32
      %ne3A_473 = arith.cmpi ne, %sign3A_465, %sign3A_472 : i32
      %rem3A_474 = arith.remsi %add3A_456, %jit3A_457 : i32
      %ne3A_475 = arith.constant 0 : i32
      %ne3A_476 = arith.cmpi ne, %rem3A_474, %ne3A_475 : i32
      %and3A_477 = arith.andi %ne3A_473, %ne3A_476 : i1
      %sub3A_478 = arith.constant 1 : i32
      %sub3A_479 = arith.subi %div3A_458, %sub3A_478 : i32
      %select_n3A_480 = arith.select %and3A_477, %sub3A_479, %div3A_458 : i32
      %rem3A_481 = arith.constant 128 : i32
      %rem3A_482 = arith.remsi %add3A_456, %rem3A_481 : i32
      %mul3A_483 = arith.constant 128 : i32
      %mul3A_484 = arith.muli %rem3A_482, %mul3A_483 : i32
      %dma_wait3A_485 = tpu.memref_slice %arg2[%select_n3A_480, %mul3A_484] : memref<50x16384xi32, #tpu.memory_space<hbm>> -> memref<1x128xi32, #tpu.memory_space<hbm>>
      %dma_wait3A_486 = tpu.memref_squeeze %dma_wait3A_485 : memref<1x128xi32, #tpu.memory_space<hbm>> -> memref<128xi32, #tpu.memory_space<hbm>>
      %dma_wait3A_487 = tpu.memref_slice %arg2[%select_n3A_480, %mul3A_484] : memref<50x16384xi32, #tpu.memory_space<hbm>> -> memref<1x128xi32, #tpu.memory_space<hbm>>
      %dma_wait3A_488 = tpu.memref_squeeze %dma_wait3A_487 : memref<1x128xi32, #tpu.memory_space<hbm>> -> memref<128xi32, #tpu.memory_space<hbm>>
      tpu.wait_dma2 semaphore(%arg18 : memref<!tpu.dma_semaphore, #tpu.memory_space<semaphore_mem>>) src(%dma_wait3A_488 : memref<128xi32, #tpu.memory_space<hbm>>) dst(%arg6 : memref<128xi32, #tpu.memory_space<vmem>>)
      %dma_start3A_489 = arith.constant 0 : i32
      %dma_start3A_490 = arith.constant 0 : i32
      %dma_start3A_491 = tpu.memref_slice %arg3[%dma_start3A_489, %dma_start3A_490] : memref<1000000x64xf32, #tpu.memory_space<hbm>> -> memref<1000000x64xf32, #tpu.memory_space<hbm>>
      tpu.enqueue_indirect_dma source(%dma_start3A_491 : memref<1000000x64xf32, #tpu.memory_space<hbm>>) target(%arg10 : memref<128x64xf32, #tpu.memory_space<vmem>>) offsets(%arg6 : memref<128xi32, #tpu.memory_space<vmem>>) semaphore(%arg22 : memref<!tpu.dma_semaphore, #tpu.memory_space<semaphore_mem>>)
      %add3A_492 = arith.constant 2 : i32
      %add3A_493 = arith.addi %add3A_417, %add3A_492 : i32
      %jit3A_494 = arith.constant 128 : i32
      %div3A_495 = arith.divsi %add3A_493, %jit3A_494 : i32
      %sign3A_496 = arith.constant 0 : i32
      %sign3A_497 = arith.cmpi sgt, %add3A_493, %sign3A_496 : i32
      %sign3A_498 = arith.extui %sign3A_497 : i1 to i32
      %sign3A_499 = arith.constant 0 : i32
      %sign3A_500 = arith.cmpi slt, %add3A_493, %sign3A_499 : i32
      %sign3A_501 = arith.extui %sign3A_500 : i1 to i32
      %sign3A_502 = arith.subi %sign3A_498, %sign3A_501 : i32
      %sign3A_503 = arith.constant 0 : i32
      %sign3A_504 = arith.cmpi sgt, %jit3A_494, %sign3A_503 : i32
      %sign3A_505 = arith.extui %sign3A_504 : i1 to i32
      %sign3A_506 = arith.constant 0 : i32
      %sign3A_507 = arith.cmpi slt, %jit3A_494, %sign3A_506 : i32
      %sign3A_508 = arith.extui %sign3A_507 : i1 to i32
      %sign3A_509 = arith.subi %sign3A_505, %sign3A_508 : i32
      %ne3A_510 = arith.cmpi ne, %sign3A_502, %sign3A_509 : i32
      %rem3A_511 = arith.remsi %add3A_493, %jit3A_494 : i32
      %ne3A_512 = arith.constant 0 : i32
      %ne3A_513 = arith.cmpi ne, %rem3A_511, %ne3A_512 : i32
      %and3A_514 = arith.andi %ne3A_510, %ne3A_513 : i1
      %sub3A_515 = arith.constant 1 : i32
      %sub3A_516 = arith.subi %div3A_495, %sub3A_515 : i32
      %select_n3A_517 = arith.select %and3A_514, %sub3A_516, %div3A_495 : i32
      %rem3A_518 = arith.constant 128 : i32
      %rem3A_519 = arith.remsi %add3A_493, %rem3A_518 : i32
      %mul3A_520 = arith.constant 128 : i32
      %mul3A_521 = arith.muli %rem3A_519, %mul3A_520 : i32
      %dma_wait3A_522 = tpu.memref_slice %arg2[%select_n3A_517, %mul3A_521] : memref<50x16384xi32, #tpu.memory_space<hbm>> -> memref<1x128xi32, #tpu.memory_space<hbm>>
      %dma_wait3A_523 = tpu.memref_squeeze %dma_wait3A_522 : memref<1x128xi32, #tpu.memory_space<hbm>> -> memref<128xi32, #tpu.memory_space<hbm>>
      %dma_wait3A_524 = tpu.memref_slice %arg2[%select_n3A_517, %mul3A_521] : memref<50x16384xi32, #tpu.memory_space<hbm>> -> memref<1x128xi32, #tpu.memory_space<hbm>>
      %dma_wait3A_525 = tpu.memref_squeeze %dma_wait3A_524 : memref<1x128xi32, #tpu.memory_space<hbm>> -> memref<128xi32, #tpu.memory_space<hbm>>
      tpu.wait_dma2 semaphore(%arg19 : memref<!tpu.dma_semaphore, #tpu.memory_space<semaphore_mem>>) src(%dma_wait3A_525 : memref<128xi32, #tpu.memory_space<hbm>>) dst(%arg7 : memref<128xi32, #tpu.memory_space<vmem>>)
      %dma_start3A_526 = arith.constant 0 : i32
      %dma_start3A_527 = arith.constant 0 : i32
      %dma_start3A_528 = tpu.memref_slice %arg3[%dma_start3A_526, %dma_start3A_527] : memref<1000000x64xf32, #tpu.memory_space<hbm>> -> memref<1000000x64xf32, #tpu.memory_space<hbm>>
      tpu.enqueue_indirect_dma source(%dma_start3A_528 : memref<1000000x64xf32, #tpu.memory_space<hbm>>) target(%arg11 : memref<128x64xf32, #tpu.memory_space<vmem>>) offsets(%arg7 : memref<128xi32, #tpu.memory_space<vmem>>) semaphore(%arg23 : memref<!tpu.dma_semaphore, #tpu.memory_space<semaphore_mem>>)
      %add3A_529 = arith.constant 3 : i32
      %add3A_530 = arith.addi %add3A_417, %add3A_529 : i32
      %jit3A_531 = arith.constant 128 : i32
      %div3A_532 = arith.divsi %add3A_530, %jit3A_531 : i32
      %sign3A_533 = arith.constant 0 : i32
      %sign3A_534 = arith.cmpi sgt, %add3A_530, %sign3A_533 : i32
      %sign3A_535 = arith.extui %sign3A_534 : i1 to i32
      %sign3A_536 = arith.constant 0 : i32
      %sign3A_537 = arith.cmpi slt, %add3A_530, %sign3A_536 : i32
      %sign3A_538 = arith.extui %sign3A_537 : i1 to i32
      %sign3A_539 = arith.subi %sign3A_535, %sign3A_538 : i32
      %sign3A_540 = arith.constant 0 : i32
      %sign3A_541 = arith.cmpi sgt, %jit3A_531, %sign3A_540 : i32
      %sign3A_542 = arith.extui %sign3A_541 : i1 to i32
      %sign3A_543 = arith.constant 0 : i32
      %sign3A_544 = arith.cmpi slt, %jit3A_531, %sign3A_543 : i32
      %sign3A_545 = arith.extui %sign3A_544 : i1 to i32
      %sign3A_546 = arith.subi %sign3A_542, %sign3A_545 : i32
      %ne3A_547 = arith.cmpi ne, %sign3A_539, %sign3A_546 : i32
      %rem3A_548 = arith.remsi %add3A_530, %jit3A_531 : i32
      %ne3A_549 = arith.constant 0 : i32
      %ne3A_550 = arith.cmpi ne, %rem3A_548, %ne3A_549 : i32
      %and3A_551 = arith.andi %ne3A_547, %ne3A_550 : i1
      %sub3A_552 = arith.constant 1 : i32
      %sub3A_553 = arith.subi %div3A_532, %sub3A_552 : i32
      %select_n3A_554 = arith.select %and3A_551, %sub3A_553, %div3A_532 : i32
      %rem3A_555 = arith.constant 128 : i32
      %rem3A_556 = arith.remsi %add3A_530, %rem3A_555 : i32
      %mul3A_557 = arith.constant 128 : i32
      %mul3A_558 = arith.muli %rem3A_556, %mul3A_557 : i32
      %dma_wait3A_559 = tpu.memref_slice %arg2[%select_n3A_554, %mul3A_558] : memref<50x16384xi32, #tpu.memory_space<hbm>> -> memref<1x128xi32, #tpu.memory_space<hbm>>
      %dma_wait3A_560 = tpu.memref_squeeze %dma_wait3A_559 : memref<1x128xi32, #tpu.memory_space<hbm>> -> memref<128xi32, #tpu.memory_space<hbm>>
      %dma_wait3A_561 = tpu.memref_slice %arg2[%select_n3A_554, %mul3A_558] : memref<50x16384xi32, #tpu.memory_space<hbm>> -> memref<1x128xi32, #tpu.memory_space<hbm>>
      %dma_wait3A_562 = tpu.memref_squeeze %dma_wait3A_561 : memref<1x128xi32, #tpu.memory_space<hbm>> -> memref<128xi32, #tpu.memory_space<hbm>>
      tpu.wait_dma2 semaphore(%arg20 : memref<!tpu.dma_semaphore, #tpu.memory_space<semaphore_mem>>) src(%dma_wait3A_562 : memref<128xi32, #tpu.memory_space<hbm>>) dst(%arg8 : memref<128xi32, #tpu.memory_space<vmem>>)
      %dma_start3A_563 = arith.constant 0 : i32
      %dma_start3A_564 = arith.constant 0 : i32
      %dma_start3A_565 = tpu.memref_slice %arg3[%dma_start3A_563, %dma_start3A_564] : memref<1000000x64xf32, #tpu.memory_space<hbm>> -> memref<1000000x64xf32, #tpu.memory_space<hbm>>
      tpu.enqueue_indirect_dma source(%dma_start3A_565 : memref<1000000x64xf32, #tpu.memory_space<hbm>>) target(%arg12 : memref<128x64xf32, #tpu.memory_space<vmem>>) offsets(%arg8 : memref<128xi32, #tpu.memory_space<vmem>>) semaphore(%arg24 : memref<!tpu.dma_semaphore, #tpu.memory_space<semaphore_mem>>)
      %add3A_566 = arith.constant 0 : i32
      %add3A_567 = arith.addi %add3A_417, %add3A_566 : i32
      %dma_wait3A_568 = arith.constant 0 : i32
      %dma_wait3A_569 = arith.constant 0 : i32
      %dma_wait3A_570 = tpu.memref_slice %arg3[%dma_wait3A_568, %dma_wait3A_569] : memref<1000000x64xf32, #tpu.memory_space<hbm>> -> memref<1000000x64xf32, #tpu.memory_space<hbm>>
      tpu.wait_indirect_dma semaphore(%arg21 : memref<!tpu.dma_semaphore, #tpu.memory_space<semaphore_mem>>) src(%dma_wait3A_570 : memref<1000000x64xf32, #tpu.memory_space<hbm>>) dst(%arg9 : memref<128x64xf32, #tpu.memory_space<vmem>>)
      %add3A_571 = arith.constant 4 : i32
      %add3A_572 = arith.addi %add3A_567, %add3A_571 : i32
      %min3A = arith.constant 6399 : i32
      %min3A_573 = arith.minsi %add3A_572, %min3A : i32
      %jit3A_574 = arith.constant 128 : i32
      %div3A_575 = arith.divsi %min3A_573, %jit3A_574 : i32
      %sign3A_576 = arith.constant 0 : i32
      %sign3A_577 = arith.cmpi sgt, %min3A_573, %sign3A_576 : i32
      %sign3A_578 = arith.extui %sign3A_577 : i1 to i32
      %sign3A_579 = arith.constant 0 : i32
      %sign3A_580 = arith.cmpi slt, %min3A_573, %sign3A_579 : i32
      %sign3A_581 = arith.extui %sign3A_580 : i1 to i32
      %sign3A_582 = arith.subi %sign3A_578, %sign3A_581 : i32
      %sign3A_583 = arith.constant 0 : i32
      %sign3A_584 = arith.cmpi sgt, %jit3A_574, %sign3A_583 : i32
      %sign3A_585 = arith.extui %sign3A_584 : i1 to i32
      %sign3A_586 = arith.constant 0 : i32
      %sign3A_587 = arith.cmpi slt, %jit3A_574, %sign3A_586 : i32
      %sign3A_588 = arith.extui %sign3A_587 : i1 to i32
      %sign3A_589 = arith.subi %sign3A_585, %sign3A_588 : i32
      %ne3A_590 = arith.cmpi ne, %sign3A_582, %sign3A_589 : i32
      %rem3A_591 = arith.remsi %min3A_573, %jit3A_574 : i32
      %ne3A_592 = arith.constant 0 : i32
      %ne3A_593 = arith.cmpi ne, %rem3A_591, %ne3A_592 : i32
      %and3A_594 = arith.andi %ne3A_590, %ne3A_593 : i1
      %sub3A_595 = arith.constant 1 : i32
      %sub3A_596 = arith.subi %div3A_575, %sub3A_595 : i32
      %select_n3A_597 = arith.select %and3A_594, %sub3A_596, %div3A_575 : i32
      %rem3A_598 = arith.constant 128 : i32
      %rem3A_599 = arith.remsi %min3A_573, %rem3A_598 : i32
      %mul3A_600 = arith.constant 128 : i32
      %mul3A_601 = arith.muli %rem3A_599, %mul3A_600 : i32
      %dma_start3A_602 = tpu.memref_slice %arg2[%select_n3A_597, %mul3A_601] : memref<50x16384xi32, #tpu.memory_space<hbm>> -> memref<1x128xi32, #tpu.memory_space<hbm>>
      %dma_start3A_603 = tpu.memref_squeeze %dma_start3A_602 : memref<1x128xi32, #tpu.memory_space<hbm>> -> memref<128xi32, #tpu.memory_space<hbm>>
      %dma_start3A_604 = tpu.memref_slice %arg2[%select_n3A_597, %mul3A_601] : memref<50x16384xi32, #tpu.memory_space<hbm>> -> memref<1x128xi32, #tpu.memory_space<hbm>>
      %dma_start3A_605 = tpu.memref_squeeze %dma_start3A_604 : memref<1x128xi32, #tpu.memory_space<hbm>> -> memref<128xi32, #tpu.memory_space<hbm>>
      tpu.enqueue_dma source(%dma_start3A_605 : memref<128xi32, #tpu.memory_space<hbm>>) target(%arg5 : memref<128xi32, #tpu.memory_space<vmem>>) target_semaphore(%arg17 : memref<!tpu.dma_semaphore, #tpu.memory_space<semaphore_mem>>)
      %ne3A_606 = arith.constant 0 : i32
      %ne3A_607 = arith.cmpi ne, %scan3A_414, %ne3A_606 : i32
      %convert_element_type3A = arith.extui %ne3A_607 : i1 to i32
      %cond3A = arith.constant 0 : i32
      %cond3A_608 = arith.cmpi ne, %convert_element_type3A, %cond3A : i32
      scf.if %cond3A_608 {
        %sub3A_894 = arith.constant 4 : i32
        %sub3A_895 = arith.subi %add3A_567, %sub3A_894 : i32
        %jit3A_896 = arith.constant 128 : i32
        %div3A_897 = arith.divsi %sub3A_895, %jit3A_896 : i32
        %sign3A_898 = arith.constant 0 : i32
        %sign3A_899 = arith.cmpi sgt, %sub3A_895, %sign3A_898 : i32
        %sign3A_900 = arith.extui %sign3A_899 : i1 to i32
        %sign3A_901 = arith.constant 0 : i32
        %sign3A_902 = arith.cmpi slt, %sub3A_895, %sign3A_901 : i32
        %sign3A_903 = arith.extui %sign3A_902 : i1 to i32
        %sign3A_904 = arith.subi %sign3A_900, %sign3A_903 : i32
        %sign3A_905 = arith.constant 0 : i32
        %sign3A_906 = arith.cmpi sgt, %jit3A_896, %sign3A_905 : i32
        %sign3A_907 = arith.extui %sign3A_906 : i1 to i32
        %sign3A_908 = arith.constant 0 : i32
        %sign3A_909 = arith.cmpi slt, %jit3A_896, %sign3A_908 : i32
        %sign3A_910 = arith.extui %sign3A_909 : i1 to i32
        %sign3A_911 = arith.subi %sign3A_907, %sign3A_910 : i32
        %ne3A_912 = arith.cmpi ne, %sign3A_904, %sign3A_911 : i32
        %rem3A_913 = arith.remsi %sub3A_895, %jit3A_896 : i32
        %ne3A_914 = arith.constant 0 : i32
        %ne3A_915 = arith.cmpi ne, %rem3A_913, %ne3A_914 : i32
        %and3A_916 = arith.andi %ne3A_912, %ne3A_915 : i1
        %sub3A_917 = arith.constant 1 : i32
        %sub3A_918 = arith.subi %div3A_897, %sub3A_917 : i32
        %select_n3A_919 = arith.select %and3A_916, %sub3A_918, %div3A_897 : i32
        %rem3A_920 = arith.constant 128 : i32
        %rem3A_921 = arith.remsi %sub3A_895, %rem3A_920 : i32
        %dma_wait3A_922 = arith.constant 0 : i32
        %dma_wait3A_923 = arith.constant 0 : i32
        %dma_wait3A_924 = tpu.memref_slice %arg4[%select_n3A_919, %dma_wait3A_922, %rem3A_921, %dma_wait3A_923] : memref<50x8x128x1024xf32, #tpu.memory_space<hbm>> -> memref<1x8x1x1024xf32, #tpu.memory_space<hbm>>
        %dma_wait3A_925 = tpu.memref_squeeze %dma_wait3A_924 : memref<1x8x1x1024xf32, #tpu.memory_space<hbm>> -> memref<8x1024xf32, #tpu.memory_space<hbm>>
        %dma_wait3A_926 = arith.constant 0 : i32
        %dma_wait3A_927 = arith.constant 0 : i32
        %dma_wait3A_928 = tpu.memref_slice %arg4[%select_n3A_919, %dma_wait3A_926, %rem3A_921, %dma_wait3A_927] : memref<50x8x128x1024xf32, #tpu.memory_space<hbm>> -> memref<1x8x1x1024xf32, #tpu.memory_space<hbm>>
        %dma_wait3A_929 = tpu.memref_squeeze %dma_wait3A_928 : memref<1x8x1x1024xf32, #tpu.memory_space<hbm>> -> memref<8x1024xf32, #tpu.memory_space<hbm>>
        tpu.wait_dma2 semaphore(%arg25 : memref<!tpu.dma_semaphore, #tpu.memory_space<semaphore_mem>>) src(%arg13 : memref<8x1024xf32, #tpu.memory_space<vmem>>) dst(%dma_wait3A_929 : memref<8x1024xf32, #tpu.memory_space<hbm>>)
      } else {
      }
      %parallel_loop3A = arith.constant 0 : i32
      %parallel_loop3A_609 = arith.constant 512 : i32
      %parallel_loop3A_610 = arith.constant 1 : i32
      scf.for %parallel_loop3A_894 = %parallel_loop3A to %parallel_loop3A_609 step %parallel_loop3A_610  : i32 {
        %parallel_loop3A_895 = arith.constant 63 : i32
        %parallel_loop3A_896 = arith.andi %parallel_loop3A_894, %parallel_loop3A_895 : i32
        %parallel_loop3A_897 = arith.constant 64 : i32
        %parallel_loop3A_898 = arith.divsi %parallel_loop3A_894, %parallel_loop3A_897 : i32
        %parallel_loop3A_899 = arith.constant 0 : i32
        %parallel_loop3A_900 = arith.cmpi sgt, %parallel_loop3A_894, %parallel_loop3A_899 : i32
        %parallel_loop3A_901 = arith.extui %parallel_loop3A_900 : i1 to i32
        %parallel_loop3A_902 = arith.constant 0 : i32
        %parallel_loop3A_903 = arith.cmpi slt, %parallel_loop3A_894, %parallel_loop3A_902 : i32
        %parallel_loop3A_904 = arith.extui %parallel_loop3A_903 : i1 to i32
        %parallel_loop3A_905 = arith.subi %parallel_loop3A_901, %parallel_loop3A_904 : i32
        %parallel_loop3A_906 = arith.constant 0 : i32
        %parallel_loop3A_907 = arith.cmpi sgt, %parallel_loop3A_897, %parallel_loop3A_906 : i32
        %parallel_loop3A_908 = arith.extui %parallel_loop3A_907 : i1 to i32
        %parallel_loop3A_909 = arith.constant 0 : i32
        %parallel_loop3A_910 = arith.cmpi slt, %parallel_loop3A_897, %parallel_loop3A_909 : i32
        %parallel_loop3A_911 = arith.extui %parallel_loop3A_910 : i1 to i32
        %parallel_loop3A_912 = arith.subi %parallel_loop3A_908, %parallel_loop3A_911 : i32
        %parallel_loop3A_913 = arith.cmpi ne, %parallel_loop3A_905, %parallel_loop3A_912 : i32
        %parallel_loop3A_914 = arith.remsi %parallel_loop3A_894, %parallel_loop3A_897 : i32
        %parallel_loop3A_915 = arith.constant 0 : i32
        %parallel_loop3A_916 = arith.cmpi ne, %parallel_loop3A_914, %parallel_loop3A_915 : i32
        %parallel_loop3A_917 = arith.andi %parallel_loop3A_913, %parallel_loop3A_916 : i1
        %parallel_loop3A_918 = arith.constant 1 : i32
        %parallel_loop3A_919 = arith.subi %parallel_loop3A_898, %parallel_loop3A_918 : i32
        %parallel_loop3A_920 = arith.select %parallel_loop3A_917, %parallel_loop3A_919, %parallel_loop3A_898 : i32
        %parallel_loop3A_921 = arith.constant 16 : i32
        %parallel_loop3A_922 = arith.muli %parallel_loop3A_920, %parallel_loop3A_921 : i32
        %parallel_loop3A_923 = vector.broadcast %parallel_loop3A_922 : i32 to vector<16xi32>
        %parallel_loop3A_924 = arith.addi %iota3A, %parallel_loop3A_923 : vector<16xi32>
        %parallel_loop3A_925 = arith.constant 0 : i32
        %parallel_loop3A_926 = vector.broadcast %parallel_loop3A_925 : i32 to vector<16xi32>
        %parallel_loop3A_927 = vector.broadcast %parallel_loop3A_896 : i32 to vector<16xi32>
        %parallel_loop3A_928 = arith.addi %parallel_loop3A_926, %parallel_loop3A_927 : vector<16xi32>
        %parallel_loop3A_929 = tpu.vector_load_idx %arg9[%parallel_loop3A_924, %parallel_loop3A_928] : memref<128x64xf32, #tpu.memory_space<vmem>>[vector<16xi32>, vector<16xi32>], vector<16xf32>,
        %parallel_loop3A_930 = arith.constant 8 : i32
        %parallel_loop3A_931 = arith.divsi %parallel_loop3A_896, %parallel_loop3A_930 : i32
        %parallel_loop3A_932 = arith.constant 0 : i32
        %parallel_loop3A_933 = arith.cmpi sgt, %parallel_loop3A_896, %parallel_loop3A_932 : i32
        %parallel_loop3A_934 = arith.extui %parallel_loop3A_933 : i1 to i32
        %parallel_loop3A_935 = arith.constant 0 : i32
        %parallel_loop3A_936 = arith.cmpi slt, %parallel_loop3A_896, %parallel_loop3A_935 : i32
        %parallel_loop3A_937 = arith.extui %parallel_loop3A_936 : i1 to i32
        %parallel_loop3A_938 = arith.subi %parallel_loop3A_934, %parallel_loop3A_937 : i32
        %parallel_loop3A_939 = arith.constant 0 : i32
        %parallel_loop3A_940 = arith.cmpi sgt, %parallel_loop3A_930, %parallel_loop3A_939 : i32
        %parallel_loop3A_941 = arith.extui %parallel_loop3A_940 : i1 to i32
        %parallel_loop3A_942 = arith.constant 0 : i32
        %parallel_loop3A_943 = arith.cmpi slt, %parallel_loop3A_930, %parallel_loop3A_942 : i32
        %parallel_loop3A_944 = arith.extui %parallel_loop3A_943 : i1 to i32
        %parallel_loop3A_945 = arith.subi %parallel_loop3A_941, %parallel_loop3A_944 : i32
        %parallel_loop3A_946 = arith.cmpi ne, %parallel_loop3A_938, %parallel_loop3A_945 : i32
        %parallel_loop3A_947 = arith.remsi %parallel_loop3A_896, %parallel_loop3A_930 : i32
        %parallel_loop3A_948 = arith.constant 0 : i32
        %parallel_loop3A_949 = arith.cmpi ne, %parallel_loop3A_947, %parallel_loop3A_948 : i32
        %parallel_loop3A_950 = arith.andi %parallel_loop3A_946, %parallel_loop3A_949 : i1
        %parallel_loop3A_951 = arith.constant 1 : i32
        %parallel_loop3A_952 = arith.subi %parallel_loop3A_931, %parallel_loop3A_951 : i32
        %parallel_loop3A_953 = arith.select %parallel_loop3A_950, %parallel_loop3A_952, %parallel_loop3A_931 : i32
        %parallel_loop3A_954 = arith.constant 8 : i32
        %parallel_loop3A_955 = arith.constant 0 : i32
        %parallel_loop3A_956 = arith.cmpi eq, %parallel_loop3A_954, %parallel_loop3A_955 : i32
        %parallel_loop3A_957 = arith.constant 1 : i32
        %parallel_loop3A_958 = arith.select %parallel_loop3A_956, %parallel_loop3A_957, %parallel_loop3A_954 : i32
        %parallel_loop3A_959 = arith.remsi %parallel_loop3A_896, %parallel_loop3A_958 : i32
        %parallel_loop3A_960 = arith.constant 0 : i32
        %parallel_loop3A_961 = arith.cmpi ne, %parallel_loop3A_959, %parallel_loop3A_960 : i32
        %parallel_loop3A_962 = arith.constant 0 : i32
        %parallel_loop3A_963 = arith.cmpi slt, %parallel_loop3A_959, %parallel_loop3A_962 : i32
        %parallel_loop3A_964 = arith.constant 0 : i32
        %parallel_loop3A_965 = arith.cmpi slt, %parallel_loop3A_958, %parallel_loop3A_964 : i32
        %parallel_loop3A_966 = arith.xori %parallel_loop3A_963, %parallel_loop3A_965 : i1
        %parallel_loop3A_967 = arith.andi %parallel_loop3A_966, %parallel_loop3A_961 : i1
        %parallel_loop3A_968 = arith.addi %parallel_loop3A_959, %parallel_loop3A_958 : i32
        %parallel_loop3A_969 = arith.select %parallel_loop3A_967, %parallel_loop3A_968, %parallel_loop3A_959 : i32
        %parallel_loop3A_970 = arith.constant 128 : i32
        %parallel_loop3A_971 = arith.muli %parallel_loop3A_969, %parallel_loop3A_970 : i32
        %parallel_loop3A_972 = arith.addi %parallel_loop3A_971, %parallel_loop3A_922 : i32
        %parallel_loop3A_973 = arith.index_cast %parallel_loop3A_953 : i32 to index
        %parallel_loop3A_974 = arith.index_cast %parallel_loop3A_972 : i32 to index
        %parallel_loop3A_975 = tpu.vector_load %arg13[%parallel_loop3A_973, %parallel_loop3A_974] {strides = array<i32>} : memref<8x1024xf32, #tpu.memory_space<vmem>>, vector<16xf32>,
        tpu.vector_store %arg13[%parallel_loop3A_973, %parallel_loop3A_974], %parallel_loop3A_929 {strides = array<i32>} : memref<8x1024xf32, #tpu.memory_space<vmem>>, vector<16xf32>,
      } {sc.loop_unroll_factor = 8 : i64, sc.parallel_access}
      %jit3A_611 = arith.constant 128 : i32
      %div3A_612 = arith.divsi %add3A_567, %jit3A_611 : i32
      %sign3A_613 = arith.constant 0 : i32
      %sign3A_614 = arith.cmpi sgt, %add3A_567, %sign3A_613 : i32
      %sign3A_615 = arith.extui %sign3A_614 : i1 to i32
      %sign3A_616 = arith.constant 0 : i32
      %sign3A_617 = arith.cmpi slt, %add3A_567, %sign3A_616 : i32
      %sign3A_618 = arith.extui %sign3A_617 : i1 to i32
      %sign3A_619 = arith.subi %sign3A_615, %sign3A_618 : i32
      %sign3A_620 = arith.constant 0 : i32
      %sign3A_621 = arith.cmpi sgt, %jit3A_611, %sign3A_620 : i32
      %sign3A_622 = arith.extui %sign3A_621 : i1 to i32
      %sign3A_623 = arith.constant 0 : i32
      %sign3A_624 = arith.cmpi slt, %jit3A_611, %sign3A_623 : i32
      %sign3A_625 = arith.extui %sign3A_624 : i1 to i32
      %sign3A_626 = arith.subi %sign3A_622, %sign3A_625 : i32
      %ne3A_627 = arith.cmpi ne, %sign3A_619, %sign3A_626 : i32
      %rem3A_628 = arith.remsi %add3A_567, %jit3A_611 : i32
      %ne3A_629 = arith.constant 0 : i32
      %ne3A_630 = arith.cmpi ne, %rem3A_628, %ne3A_629 : i32
      %and3A_631 = arith.andi %ne3A_627, %ne3A_630 : i1
      %sub3A_632 = arith.constant 1 : i32
      %sub3A_633 = arith.subi %div3A_612, %sub3A_632 : i32
      %select_n3A_634 = arith.select %and3A_631, %sub3A_633, %div3A_612 : i32
      %rem3A_635 = arith.constant 128 : i32
      %rem3A_636 = arith.remsi %add3A_567, %rem3A_635 : i32
      %dma_start3A_637 = arith.constant 0 : i32
      %dma_start3A_638 = arith.constant 0 : i32
      %dma_start3A_639 = tpu.memref_slice %arg4[%select_n3A_634, %dma_start3A_637, %rem3A_636, %dma_start3A_638] : memref<50x8x128x1024xf32, #tpu.memory_space<hbm>> -> memref<1x8x1x1024xf32, #tpu.memory_space<hbm>>
      %dma_start3A_640 = tpu.memref_squeeze %dma_start3A_639 : memref<1x8x1x1024xf32, #tpu.memory_space<hbm>> -> memref<8x1024xf32, #tpu.memory_space<hbm>>
      %dma_start3A_641 = arith.constant 0 : i32
      %dma_start3A_642 = arith.constant 0 : i32
      %dma_start3A_643 = tpu.memref_slice %arg4[%select_n3A_634, %dma_start3A_641, %rem3A_636, %dma_start3A_642] : memref<50x8x128x1024xf32, #tpu.memory_space<hbm>> -> memref<1x8x1x1024xf32, #tpu.memory_space<hbm>>
      %dma_start3A_644 = tpu.memref_squeeze %dma_start3A_643 : memref<1x8x1x1024xf32, #tpu.memory_space<hbm>> -> memref<8x1024xf32, #tpu.memory_space<hbm>>
      tpu.enqueue_dma source(%arg13 : memref<8x1024xf32, #tpu.memory_space<vmem>>) target(%dma_start3A_644 : memref<8x1024xf32, #tpu.memory_space<hbm>>) target_semaphore(%arg25 : memref<!tpu.dma_semaphore, #tpu.memory_space<semaphore_mem>>)
      %add3A_645 = arith.constant 1 : i32
      %add3A_646 = arith.addi %add3A_417, %add3A_645 : i32
      %dma_wait3A_647 = arith.constant 0 : i32
      %dma_wait3A_648 = arith.constant 0 : i32
      %dma_wait3A_649 = tpu.memref_slice %arg3[%dma_wait3A_647, %dma_wait3A_648] : memref<1000000x64xf32, #tpu.memory_space<hbm>> -> memref<1000000x64xf32, #tpu.memory_space<hbm>>
      tpu.wait_indirect_dma semaphore(%arg22 : memref<!tpu.dma_semaphore, #tpu.memory_space<semaphore_mem>>) src(%dma_wait3A_649 : memref<1000000x64xf32, #tpu.memory_space<hbm>>) dst(%arg10 : memref<128x64xf32, #tpu.memory_space<vmem>>)
      %add3A_650 = arith.constant 4 : i32
      %add3A_651 = arith.addi %add3A_646, %add3A_650 : i32
      %min3A_652 = arith.constant 6399 : i32
      %min3A_653 = arith.minsi %add3A_651, %min3A_652 : i32
      %jit3A_654 = arith.constant 128 : i32
      %div3A_655 = arith.divsi %min3A_653, %jit3A_654 : i32
      %sign3A_656 = arith.constant 0 : i32
      %sign3A_657 = arith.cmpi sgt, %min3A_653, %sign3A_656 : i32
      %sign3A_658 = arith.extui %sign3A_657 : i1 to i32
      %sign3A_659 = arith.constant 0 : i32
      %sign3A_660 = arith.cmpi slt, %min3A_653, %sign3A_659 : i32
      %sign3A_661 = arith.extui %sign3A_660 : i1 to i32
      %sign3A_662 = arith.subi %sign3A_658, %sign3A_661 : i32
      %sign3A_663 = arith.constant 0 : i32
      %sign3A_664 = arith.cmpi sgt, %jit3A_654, %sign3A_663 : i32
      %sign3A_665 = arith.extui %sign3A_664 : i1 to i32
      %sign3A_666 = arith.constant 0 : i32
      %sign3A_667 = arith.cmpi slt, %jit3A_654, %sign3A_666 : i32
      %sign3A_668 = arith.extui %sign3A_667 : i1 to i32
      %sign3A_669 = arith.subi %sign3A_665, %sign3A_668 : i32
      %ne3A_670 = arith.cmpi ne, %sign3A_662, %sign3A_669 : i32
      %rem3A_671 = arith.remsi %min3A_653, %jit3A_654 : i32
      %ne3A_672 = arith.constant 0 : i32
      %ne3A_673 = arith.cmpi ne, %rem3A_671, %ne3A_672 : i32
      %and3A_674 = arith.andi %ne3A_670, %ne3A_673 : i1
      %sub3A_675 = arith.constant 1 : i32
      %sub3A_676 = arith.subi %div3A_655, %sub3A_675 : i32
      %select_n3A_677 = arith.select %and3A_674, %sub3A_676, %div3A_655 : i32
      %rem3A_678 = arith.constant 128 : i32
      %rem3A_679 = arith.remsi %min3A_653, %rem3A_678 : i32
      %mul3A_680 = arith.constant 128 : i32
      %mul3A_681 = arith.muli %rem3A_679, %mul3A_680 : i32
      %dma_start3A_682 = tpu.memref_slice %arg2[%select_n3A_677, %mul3A_681] : memref<50x16384xi32, #tpu.memory_space<hbm>> -> memref<1x128xi32, #tpu.memory_space<hbm>>
      %dma_start3A_683 = tpu.memref_squeeze %dma_start3A_682 : memref<1x128xi32, #tpu.memory_space<hbm>> -> memref<128xi32, #tpu.memory_space<hbm>>
      %dma_start3A_684 = tpu.memref_slice %arg2[%select_n3A_677, %mul3A_681] : memref<50x16384xi32, #tpu.memory_space<hbm>> -> memref<1x128xi32, #tpu.memory_space<hbm>>
      %dma_start3A_685 = tpu.memref_squeeze %dma_start3A_684 : memref<1x128xi32, #tpu.memory_space<hbm>> -> memref<128xi32, #tpu.memory_space<hbm>>
      tpu.enqueue_dma source(%dma_start3A_685 : memref<128xi32, #tpu.memory_space<hbm>>) target(%arg6 : memref<128xi32, #tpu.memory_space<vmem>>) target_semaphore(%arg18 : memref<!tpu.dma_semaphore, #tpu.memory_space<semaphore_mem>>)
      %ne3A_686 = arith.constant 0 : i32
      %ne3A_687 = arith.cmpi ne, %scan3A_414, %ne3A_686 : i32
      %convert_element_type3A_688 = arith.extui %ne3A_687 : i1 to i32
      %cond3A_689 = arith.constant 0 : i32
      %cond3A_690 = arith.cmpi ne, %convert_element_type3A_688, %cond3A_689 : i32
      scf.if %cond3A_690 {
        %sub3A_894 = arith.constant 4 : i32
        %sub3A_895 = arith.subi %add3A_646, %sub3A_894 : i32
        %jit3A_896 = arith.constant 128 : i32
        %div3A_897 = arith.divsi %sub3A_895, %jit3A_896 : i32
        %sign3A_898 = arith.constant 0 : i32
        %sign3A_899 = arith.cmpi sgt, %sub3A_895, %sign3A_898 : i32
        %sign3A_900 = arith.extui %sign3A_899 : i1 to i32
        %sign3A_901 = arith.constant 0 : i32
        %sign3A_902 = arith.cmpi slt, %sub3A_895, %sign3A_901 : i32
        %sign3A_903 = arith.extui %sign3A_902 : i1 to i32
        %sign3A_904 = arith.subi %sign3A_900, %sign3A_903 : i32
        %sign3A_905 = arith.constant 0 : i32
        %sign3A_906 = arith.cmpi sgt, %jit3A_896, %sign3A_905 : i32
        %sign3A_907 = arith.extui %sign3A_906 : i1 to i32
        %sign3A_908 = arith.constant 0 : i32
        %sign3A_909 = arith.cmpi slt, %jit3A_896, %sign3A_908 : i32
        %sign3A_910 = arith.extui %sign3A_909 : i1 to i32
        %sign3A_911 = arith.subi %sign3A_907, %sign3A_910 : i32
        %ne3A_912 = arith.cmpi ne, %sign3A_904, %sign3A_911 : i32
        %rem3A_913 = arith.remsi %sub3A_895, %jit3A_896 : i32
        %ne3A_914 = arith.constant 0 : i32
        %ne3A_915 = arith.cmpi ne, %rem3A_913, %ne3A_914 : i32
        %and3A_916 = arith.andi %ne3A_912, %ne3A_915 : i1
        %sub3A_917 = arith.constant 1 : i32
        %sub3A_918 = arith.subi %div3A_897, %sub3A_917 : i32
        %select_n3A_919 = arith.select %and3A_916, %sub3A_918, %div3A_897 : i32
        %rem3A_920 = arith.constant 128 : i32
        %rem3A_921 = arith.remsi %sub3A_895, %rem3A_920 : i32
        %dma_wait3A_922 = arith.constant 0 : i32
        %dma_wait3A_923 = arith.constant 0 : i32
        %dma_wait3A_924 = tpu.memref_slice %arg4[%select_n3A_919, %dma_wait3A_922, %rem3A_921, %dma_wait3A_923] : memref<50x8x128x1024xf32, #tpu.memory_space<hbm>> -> memref<1x8x1x1024xf32, #tpu.memory_space<hbm>>
        %dma_wait3A_925 = tpu.memref_squeeze %dma_wait3A_924 : memref<1x8x1x1024xf32, #tpu.memory_space<hbm>> -> memref<8x1024xf32, #tpu.memory_space<hbm>>
        %dma_wait3A_926 = arith.constant 0 : i32
        %dma_wait3A_927 = arith.constant 0 : i32
        %dma_wait3A_928 = tpu.memref_slice %arg4[%select_n3A_919, %dma_wait3A_926, %rem3A_921, %dma_wait3A_927] : memref<50x8x128x1024xf32, #tpu.memory_space<hbm>> -> memref<1x8x1x1024xf32, #tpu.memory_space<hbm>>
        %dma_wait3A_929 = tpu.memref_squeeze %dma_wait3A_928 : memref<1x8x1x1024xf32, #tpu.memory_space<hbm>> -> memref<8x1024xf32, #tpu.memory_space<hbm>>
        tpu.wait_dma2 semaphore(%arg26 : memref<!tpu.dma_semaphore, #tpu.memory_space<semaphore_mem>>) src(%arg14 : memref<8x1024xf32, #tpu.memory_space<vmem>>) dst(%dma_wait3A_929 : memref<8x1024xf32, #tpu.memory_space<hbm>>)
      } else {
      }
      %parallel_loop3A_691 = arith.constant 0 : i32
      %parallel_loop3A_692 = arith.constant 512 : i32
      %parallel_loop3A_693 = arith.constant 1 : i32
      scf.for %parallel_loop3A_894 = %parallel_loop3A_691 to %parallel_loop3A_692 step %parallel_loop3A_693  : i32 {
        %parallel_loop3A_895 = arith.constant 63 : i32
        %parallel_loop3A_896 = arith.andi %parallel_loop3A_894, %parallel_loop3A_895 : i32
        %parallel_loop3A_897 = arith.constant 64 : i32
        %parallel_loop3A_898 = arith.divsi %parallel_loop3A_894, %parallel_loop3A_897 : i32
        %parallel_loop3A_899 = arith.constant 0 : i32
        %parallel_loop3A_900 = arith.cmpi sgt, %parallel_loop3A_894, %parallel_loop3A_899 : i32
        %parallel_loop3A_901 = arith.extui %parallel_loop3A_900 : i1 to i32
        %parallel_loop3A_902 = arith.constant 0 : i32
        %parallel_loop3A_903 = arith.cmpi slt, %parallel_loop3A_894, %parallel_loop3A_902 : i32
        %parallel_loop3A_904 = arith.extui %parallel_loop3A_903 : i1 to i32
        %parallel_loop3A_905 = arith.subi %parallel_loop3A_901, %parallel_loop3A_904 : i32
        %parallel_loop3A_906 = arith.constant 0 : i32
        %parallel_loop3A_907 = arith.cmpi sgt, %parallel_loop3A_897, %parallel_loop3A_906 : i32
        %parallel_loop3A_908 = arith.extui %parallel_loop3A_907 : i1 to i32
        %parallel_loop3A_909 = arith.constant 0 : i32
        %parallel_loop3A_910 = arith.cmpi slt, %parallel_loop3A_897, %parallel_loop3A_909 : i32
        %parallel_loop3A_911 = arith.extui %parallel_loop3A_910 : i1 to i32
        %parallel_loop3A_912 = arith.subi %parallel_loop3A_908, %parallel_loop3A_911 : i32
        %parallel_loop3A_913 = arith.cmpi ne, %parallel_loop3A_905, %parallel_loop3A_912 : i32
        %parallel_loop3A_914 = arith.remsi %parallel_loop3A_894, %parallel_loop3A_897 : i32
        %parallel_loop3A_915 = arith.constant 0 : i32
        %parallel_loop3A_916 = arith.cmpi ne, %parallel_loop3A_914, %parallel_loop3A_915 : i32
        %parallel_loop3A_917 = arith.andi %parallel_loop3A_913, %parallel_loop3A_916 : i1
        %parallel_loop3A_918 = arith.constant 1 : i32
        %parallel_loop3A_919 = arith.subi %parallel_loop3A_898, %parallel_loop3A_918 : i32
        %parallel_loop3A_920 = arith.select %parallel_loop3A_917, %parallel_loop3A_919, %parallel_loop3A_898 : i32
        %parallel_loop3A_921 = arith.constant 16 : i32
        %parallel_loop3A_922 = arith.muli %parallel_loop3A_920, %parallel_loop3A_921 : i32
        %parallel_loop3A_923 = vector.broadcast %parallel_loop3A_922 : i32 to vector<16xi32>
        %parallel_loop3A_924 = arith.addi %iota3A, %parallel_loop3A_923 : vector<16xi32>
        %parallel_loop3A_925 = arith.constant 0 : i32
        %parallel_loop3A_926 = vector.broadcast %parallel_loop3A_925 : i32 to vector<16xi32>
        %parallel_loop3A_927 = vector.broadcast %parallel_loop3A_896 : i32 to vector<16xi32>
        %parallel_loop3A_928 = arith.addi %parallel_loop3A_926, %parallel_loop3A_927 : vector<16xi32>
        %parallel_loop3A_929 = tpu.vector_load_idx %arg10[%parallel_loop3A_924, %parallel_loop3A_928] : memref<128x64xf32, #tpu.memory_space<vmem>>[vector<16xi32>, vector<16xi32>], vector<16xf32>,
        %parallel_loop3A_930 = arith.constant 8 : i32
        %parallel_loop3A_931 = arith.divsi %parallel_loop3A_896, %parallel_loop3A_930 : i32
        %parallel_loop3A_932 = arith.constant 0 : i32
        %parallel_loop3A_933 = arith.cmpi sgt, %parallel_loop3A_896, %parallel_loop3A_932 : i32
        %parallel_loop3A_934 = arith.extui %parallel_loop3A_933 : i1 to i32
        %parallel_loop3A_935 = arith.constant 0 : i32
        %parallel_loop3A_936 = arith.cmpi slt, %parallel_loop3A_896, %parallel_loop3A_935 : i32
        %parallel_loop3A_937 = arith.extui %parallel_loop3A_936 : i1 to i32
        %parallel_loop3A_938 = arith.subi %parallel_loop3A_934, %parallel_loop3A_937 : i32
        %parallel_loop3A_939 = arith.constant 0 : i32
        %parallel_loop3A_940 = arith.cmpi sgt, %parallel_loop3A_930, %parallel_loop3A_939 : i32
        %parallel_loop3A_941 = arith.extui %parallel_loop3A_940 : i1 to i32
        %parallel_loop3A_942 = arith.constant 0 : i32
        %parallel_loop3A_943 = arith.cmpi slt, %parallel_loop3A_930, %parallel_loop3A_942 : i32
        %parallel_loop3A_944 = arith.extui %parallel_loop3A_943 : i1 to i32
        %parallel_loop3A_945 = arith.subi %parallel_loop3A_941, %parallel_loop3A_944 : i32
        %parallel_loop3A_946 = arith.cmpi ne, %parallel_loop3A_938, %parallel_loop3A_945 : i32
        %parallel_loop3A_947 = arith.remsi %parallel_loop3A_896, %parallel_loop3A_930 : i32
        %parallel_loop3A_948 = arith.constant 0 : i32
        %parallel_loop3A_949 = arith.cmpi ne, %parallel_loop3A_947, %parallel_loop3A_948 : i32
        %parallel_loop3A_950 = arith.andi %parallel_loop3A_946, %parallel_loop3A_949 : i1
        %parallel_loop3A_951 = arith.constant 1 : i32
        %parallel_loop3A_952 = arith.subi %parallel_loop3A_931, %parallel_loop3A_951 : i32
        %parallel_loop3A_953 = arith.select %parallel_loop3A_950, %parallel_loop3A_952, %parallel_loop3A_931 : i32
        %parallel_loop3A_954 = arith.constant 8 : i32
        %parallel_loop3A_955 = arith.constant 0 : i32
        %parallel_loop3A_956 = arith.cmpi eq, %parallel_loop3A_954, %parallel_loop3A_955 : i32
        %parallel_loop3A_957 = arith.constant 1 : i32
        %parallel_loop3A_958 = arith.select %parallel_loop3A_956, %parallel_loop3A_957, %parallel_loop3A_954 : i32
        %parallel_loop3A_959 = arith.remsi %parallel_loop3A_896, %parallel_loop3A_958 : i32
        %parallel_loop3A_960 = arith.constant 0 : i32
        %parallel_loop3A_961 = arith.cmpi ne, %parallel_loop3A_959, %parallel_loop3A_960 : i32
        %parallel_loop3A_962 = arith.constant 0 : i32
        %parallel_loop3A_963 = arith.cmpi slt, %parallel_loop3A_959, %parallel_loop3A_962 : i32
        %parallel_loop3A_964 = arith.constant 0 : i32
        %parallel_loop3A_965 = arith.cmpi slt, %parallel_loop3A_958, %parallel_loop3A_964 : i32
        %parallel_loop3A_966 = arith.xori %parallel_loop3A_963, %parallel_loop3A_965 : i1
        %parallel_loop3A_967 = arith.andi %parallel_loop3A_966, %parallel_loop3A_961 : i1
        %parallel_loop3A_968 = arith.addi %parallel_loop3A_959, %parallel_loop3A_958 : i32
        %parallel_loop3A_969 = arith.select %parallel_loop3A_967, %parallel_loop3A_968, %parallel_loop3A_959 : i32
        %parallel_loop3A_970 = arith.constant 128 : i32
        %parallel_loop3A_971 = arith.muli %parallel_loop3A_969, %parallel_loop3A_970 : i32
        %parallel_loop3A_972 = arith.addi %parallel_loop3A_971, %parallel_loop3A_922 : i32
        %parallel_loop3A_973 = arith.index_cast %parallel_loop3A_953 : i32 to index
        %parallel_loop3A_974 = arith.index_cast %parallel_loop3A_972 : i32 to index
        %parallel_loop3A_975 = tpu.vector_load %arg14[%parallel_loop3A_973, %parallel_loop3A_974] {strides = array<i32>} : memref<8x1024xf32, #tpu.memory_space<vmem>>, vector<16xf32>,
        tpu.vector_store %arg14[%parallel_loop3A_973, %parallel_loop3A_974], %parallel_loop3A_929 {strides = array<i32>} : memref<8x1024xf32, #tpu.memory_space<vmem>>, vector<16xf32>,
      } {sc.loop_unroll_factor = 8 : i64, sc.parallel_access}
      %jit3A_694 = arith.constant 128 : i32
      %div3A_695 = arith.divsi %add3A_646, %jit3A_694 : i32
      %sign3A_696 = arith.constant 0 : i32
      %sign3A_697 = arith.cmpi sgt, %add3A_646, %sign3A_696 : i32
      %sign3A_698 = arith.extui %sign3A_697 : i1 to i32
      %sign3A_699 = arith.constant 0 : i32
      %sign3A_700 = arith.cmpi slt, %add3A_646, %sign3A_699 : i32
      %sign3A_701 = arith.extui %sign3A_700 : i1 to i32
      %sign3A_702 = arith.subi %sign3A_698, %sign3A_701 : i32
      %sign3A_703 = arith.constant 0 : i32
      %sign3A_704 = arith.cmpi sgt, %jit3A_694, %sign3A_703 : i32
      %sign3A_705 = arith.extui %sign3A_704 : i1 to i32
      %sign3A_706 = arith.constant 0 : i32
      %sign3A_707 = arith.cmpi slt, %jit3A_694, %sign3A_706 : i32
      %sign3A_708 = arith.extui %sign3A_707 : i1 to i32
      %sign3A_709 = arith.subi %sign3A_705, %sign3A_708 : i32
      %ne3A_710 = arith.cmpi ne, %sign3A_702, %sign3A_709 : i32
      %rem3A_711 = arith.remsi %add3A_646, %jit3A_694 : i32
      %ne3A_712 = arith.constant 0 : i32
      %ne3A_713 = arith.cmpi ne, %rem3A_711, %ne3A_712 : i32
      %and3A_714 = arith.andi %ne3A_710, %ne3A_713 : i1
      %sub3A_715 = arith.constant 1 : i32
      %sub3A_716 = arith.subi %div3A_695, %sub3A_715 : i32
      %select_n3A_717 = arith.select %and3A_714, %sub3A_716, %div3A_695 : i32
      %rem3A_718 = arith.constant 128 : i32
      %rem3A_719 = arith.remsi %add3A_646, %rem3A_718 : i32
      %dma_start3A_720 = arith.constant 0 : i32
      %dma_start3A_721 = arith.constant 0 : i32
      %dma_start3A_722 = tpu.memref_slice %arg4[%select_n3A_717, %dma_start3A_720, %rem3A_719, %dma_start3A_721] : memref<50x8x128x1024xf32, #tpu.memory_space<hbm>> -> memref<1x8x1x1024xf32, #tpu.memory_space<hbm>>
      %dma_start3A_723 = tpu.memref_squeeze %dma_start3A_722 : memref<1x8x1x1024xf32, #tpu.memory_space<hbm>> -> memref<8x1024xf32, #tpu.memory_space<hbm>>
      %dma_start3A_724 = arith.constant 0 : i32
      %dma_start3A_725 = arith.constant 0 : i32
      %dma_start3A_726 = tpu.memref_slice %arg4[%select_n3A_717, %dma_start3A_724, %rem3A_719, %dma_start3A_725] : memref<50x8x128x1024xf32, #tpu.memory_space<hbm>> -> memref<1x8x1x1024xf32, #tpu.memory_space<hbm>>
      %dma_start3A_727 = tpu.memref_squeeze %dma_start3A_726 : memref<1x8x1x1024xf32, #tpu.memory_space<hbm>> -> memref<8x1024xf32, #tpu.memory_space<hbm>>
      tpu.enqueue_dma source(%arg14 : memref<8x1024xf32, #tpu.memory_space<vmem>>) target(%dma_start3A_727 : memref<8x1024xf32, #tpu.memory_space<hbm>>) target_semaphore(%arg26 : memref<!tpu.dma_semaphore, #tpu.memory_space<semaphore_mem>>)
      %add3A_728 = arith.constant 2 : i32
      %add3A_729 = arith.addi %add3A_417, %add3A_728 : i32
      %dma_wait3A_730 = arith.constant 0 : i32
      %dma_wait3A_731 = arith.constant 0 : i32
      %dma_wait3A_732 = tpu.memref_slice %arg3[%dma_wait3A_730, %dma_wait3A_731] : memref<1000000x64xf32, #tpu.memory_space<hbm>> -> memref<1000000x64xf32, #tpu.memory_space<hbm>>
      tpu.wait_indirect_dma semaphore(%arg23 : memref<!tpu.dma_semaphore, #tpu.memory_space<semaphore_mem>>) src(%dma_wait3A_732 : memref<1000000x64xf32, #tpu.memory_space<hbm>>) dst(%arg11 : memref<128x64xf32, #tpu.memory_space<vmem>>)
      %add3A_733 = arith.constant 4 : i32
      %add3A_734 = arith.addi %add3A_729, %add3A_733 : i32
      %min3A_735 = arith.constant 6399 : i32
      %min3A_736 = arith.minsi %add3A_734, %min3A_735 : i32
      %jit3A_737 = arith.constant 128 : i32
      %div3A_738 = arith.divsi %min3A_736, %jit3A_737 : i32
      %sign3A_739 = arith.constant 0 : i32
      %sign3A_740 = arith.cmpi sgt, %min3A_736, %sign3A_739 : i32
      %sign3A_741 = arith.extui %sign3A_740 : i1 to i32
      %sign3A_742 = arith.constant 0 : i32
      %sign3A_743 = arith.cmpi slt, %min3A_736, %sign3A_742 : i32
      %sign3A_744 = arith.extui %sign3A_743 : i1 to i32
      %sign3A_745 = arith.subi %sign3A_741, %sign3A_744 : i32
      %sign3A_746 = arith.constant 0 : i32
      %sign3A_747 = arith.cmpi sgt, %jit3A_737, %sign3A_746 : i32
      %sign3A_748 = arith.extui %sign3A_747 : i1 to i32
      %sign3A_749 = arith.constant 0 : i32
      %sign3A_750 = arith.cmpi slt, %jit3A_737, %sign3A_749 : i32
      %sign3A_751 = arith.extui %sign3A_750 : i1 to i32
      %sign3A_752 = arith.subi %sign3A_748, %sign3A_751 : i32
      %ne3A_753 = arith.cmpi ne, %sign3A_745, %sign3A_752 : i32
      %rem3A_754 = arith.remsi %min3A_736, %jit3A_737 : i32
      %ne3A_755 = arith.constant 0 : i32
      %ne3A_756 = arith.cmpi ne, %rem3A_754, %ne3A_755 : i32
      %and3A_757 = arith.andi %ne3A_753, %ne3A_756 : i1
      %sub3A_758 = arith.constant 1 : i32
      %sub3A_759 = arith.subi %div3A_738, %sub3A_758 : i32
      %select_n3A_760 = arith.select %and3A_757, %sub3A_759, %div3A_738 : i32
      %rem3A_761 = arith.constant 128 : i32
      %rem3A_762 = arith.remsi %min3A_736, %rem3A_761 : i32
      %mul3A_763 = arith.constant 128 : i32
      %mul3A_764 = arith.muli %rem3A_762, %mul3A_763 : i32
      %dma_start3A_765 = tpu.memref_slice %arg2[%select_n3A_760, %mul3A_764] : memref<50x16384xi32, #tpu.memory_space<hbm>> -> memref<1x128xi32, #tpu.memory_space<hbm>>
      %dma_start3A_766 = tpu.memref_squeeze %dma_start3A_765 : memref<1x128xi32, #tpu.memory_space<hbm>> -> memref<128xi32, #tpu.memory_space<hbm>>
      %dma_start3A_767 = tpu.memref_slice %arg2[%select_n3A_760, %mul3A_764] : memref<50x16384xi32, #tpu.memory_space<hbm>> -> memref<1x128xi32, #tpu.memory_space<hbm>>
      %dma_start3A_768 = tpu.memref_squeeze %dma_start3A_767 : memref<1x128xi32, #tpu.memory_space<hbm>> -> memref<128xi32, #tpu.memory_space<hbm>>
      tpu.enqueue_dma source(%dma_start3A_768 : memref<128xi32, #tpu.memory_space<hbm>>) target(%arg7 : memref<128xi32, #tpu.memory_space<vmem>>) target_semaphore(%arg19 : memref<!tpu.dma_semaphore, #tpu.memory_space<semaphore_mem>>)
      %ne3A_769 = arith.constant 0 : i32
      %ne3A_770 = arith.cmpi ne, %scan3A_414, %ne3A_769 : i32
      %convert_element_type3A_771 = arith.extui %ne3A_770 : i1 to i32
      %cond3A_772 = arith.constant 0 : i32
      %cond3A_773 = arith.cmpi ne, %convert_element_type3A_771, %cond3A_772 : i32
      scf.if %cond3A_773 {
        %sub3A_894 = arith.constant 4 : i32
        %sub3A_895 = arith.subi %add3A_729, %sub3A_894 : i32
        %jit3A_896 = arith.constant 128 : i32
        %div3A_897 = arith.divsi %sub3A_895, %jit3A_896 : i32
        %sign3A_898 = arith.constant 0 : i32
        %sign3A_899 = arith.cmpi sgt, %sub3A_895, %sign3A_898 : i32
        %sign3A_900 = arith.extui %sign3A_899 : i1 to i32
        %sign3A_901 = arith.constant 0 : i32
        %sign3A_902 = arith.cmpi slt, %sub3A_895, %sign3A_901 : i32
        %sign3A_903 = arith.extui %sign3A_902 : i1 to i32
        %sign3A_904 = arith.subi %sign3A_900, %sign3A_903 : i32
        %sign3A_905 = arith.constant 0 : i32
        %sign3A_906 = arith.cmpi sgt, %jit3A_896, %sign3A_905 : i32
        %sign3A_907 = arith.extui %sign3A_906 : i1 to i32
        %sign3A_908 = arith.constant 0 : i32
        %sign3A_909 = arith.cmpi slt, %jit3A_896, %sign3A_908 : i32
        %sign3A_910 = arith.extui %sign3A_909 : i1 to i32
        %sign3A_911 = arith.subi %sign3A_907, %sign3A_910 : i32
        %ne3A_912 = arith.cmpi ne, %sign3A_904, %sign3A_911 : i32
        %rem3A_913 = arith.remsi %sub3A_895, %jit3A_896 : i32
        %ne3A_914 = arith.constant 0 : i32
        %ne3A_915 = arith.cmpi ne, %rem3A_913, %ne3A_914 : i32
        %and3A_916 = arith.andi %ne3A_912, %ne3A_915 : i1
        %sub3A_917 = arith.constant 1 : i32
        %sub3A_918 = arith.subi %div3A_897, %sub3A_917 : i32
        %select_n3A_919 = arith.select %and3A_916, %sub3A_918, %div3A_897 : i32
        %rem3A_920 = arith.constant 128 : i32
        %rem3A_921 = arith.remsi %sub3A_895, %rem3A_920 : i32
        %dma_wait3A_922 = arith.constant 0 : i32
        %dma_wait3A_923 = arith.constant 0 : i32
        %dma_wait3A_924 = tpu.memref_slice %arg4[%select_n3A_919, %dma_wait3A_922, %rem3A_921, %dma_wait3A_923] : memref<50x8x128x1024xf32, #tpu.memory_space<hbm>> -> memref<1x8x1x1024xf32, #tpu.memory_space<hbm>>
        %dma_wait3A_925 = tpu.memref_squeeze %dma_wait3A_924 : memref<1x8x1x1024xf32, #tpu.memory_space<hbm>> -> memref<8x1024xf32, #tpu.memory_space<hbm>>
        %dma_wait3A_926 = arith.constant 0 : i32
        %dma_wait3A_927 = arith.constant 0 : i32
        %dma_wait3A_928 = tpu.memref_slice %arg4[%select_n3A_919, %dma_wait3A_926, %rem3A_921, %dma_wait3A_927] : memref<50x8x128x1024xf32, #tpu.memory_space<hbm>> -> memref<1x8x1x1024xf32, #tpu.memory_space<hbm>>
        %dma_wait3A_929 = tpu.memref_squeeze %dma_wait3A_928 : memref<1x8x1x1024xf32, #tpu.memory_space<hbm>> -> memref<8x1024xf32, #tpu.memory_space<hbm>>
        tpu.wait_dma2 semaphore(%arg27 : memref<!tpu.dma_semaphore, #tpu.memory_space<semaphore_mem>>) src(%arg15 : memref<8x1024xf32, #tpu.memory_space<vmem>>) dst(%dma_wait3A_929 : memref<8x1024xf32, #tpu.memory_space<hbm>>)
      } else {
      }
      %parallel_loop3A_774 = arith.constant 0 : i32
      %parallel_loop3A_775 = arith.constant 512 : i32
      %parallel_loop3A_776 = arith.constant 1 : i32
      scf.for %parallel_loop3A_894 = %parallel_loop3A_774 to %parallel_loop3A_775 step %parallel_loop3A_776  : i32 {
        %parallel_loop3A_895 = arith.constant 63 : i32
        %parallel_loop3A_896 = arith.andi %parallel_loop3A_894, %parallel_loop3A_895 : i32
        %parallel_loop3A_897 = arith.constant 64 : i32
        %parallel_loop3A_898 = arith.divsi %parallel_loop3A_894, %parallel_loop3A_897 : i32
        %parallel_loop3A_899 = arith.constant 0 : i32
        %parallel_loop3A_900 = arith.cmpi sgt, %parallel_loop3A_894, %parallel_loop3A_899 : i32
        %parallel_loop3A_901 = arith.extui %parallel_loop3A_900 : i1 to i32
        %parallel_loop3A_902 = arith.constant 0 : i32
        %parallel_loop3A_903 = arith.cmpi slt, %parallel_loop3A_894, %parallel_loop3A_902 : i32
        %parallel_loop3A_904 = arith.extui %parallel_loop3A_903 : i1 to i32
        %parallel_loop3A_905 = arith.subi %parallel_loop3A_901, %parallel_loop3A_904 : i32
        %parallel_loop3A_906 = arith.constant 0 : i32
        %parallel_loop3A_907 = arith.cmpi sgt, %parallel_loop3A_897, %parallel_loop3A_906 : i32
        %parallel_loop3A_908 = arith.extui %parallel_loop3A_907 : i1 to i32
        %parallel_loop3A_909 = arith.constant 0 : i32
        %parallel_loop3A_910 = arith.cmpi slt, %parallel_loop3A_897, %parallel_loop3A_909 : i32
        %parallel_loop3A_911 = arith.extui %parallel_loop3A_910 : i1 to i32
        %parallel_loop3A_912 = arith.subi %parallel_loop3A_908, %parallel_loop3A_911 : i32
        %parallel_loop3A_913 = arith.cmpi ne, %parallel_loop3A_905, %parallel_loop3A_912 : i32
        %parallel_loop3A_914 = arith.remsi %parallel_loop3A_894, %parallel_loop3A_897 : i32
        %parallel_loop3A_915 = arith.constant 0 : i32
        %parallel_loop3A_916 = arith.cmpi ne, %parallel_loop3A_914, %parallel_loop3A_915 : i32
        %parallel_loop3A_917 = arith.andi %parallel_loop3A_913, %parallel_loop3A_916 : i1
        %parallel_loop3A_918 = arith.constant 1 : i32
        %parallel_loop3A_919 = arith.subi %parallel_loop3A_898, %parallel_loop3A_918 : i32
        %parallel_loop3A_920 = arith.select %parallel_loop3A_917, %parallel_loop3A_919, %parallel_loop3A_898 : i32
        %parallel_loop3A_921 = arith.constant 16 : i32
        %parallel_loop3A_922 = arith.muli %parallel_loop3A_920, %parallel_loop3A_921 : i32
        %parallel_loop3A_923 = vector.broadcast %parallel_loop3A_922 : i32 to vector<16xi32>
        %parallel_loop3A_924 = arith.addi %iota3A, %parallel_loop3A_923 : vector<16xi32>
        %parallel_loop3A_925 = arith.constant 0 : i32
        %parallel_loop3A_926 = vector.broadcast %parallel_loop3A_925 : i32 to vector<16xi32>
        %parallel_loop3A_927 = vector.broadcast %parallel_loop3A_896 : i32 to vector<16xi32>
        %parallel_loop3A_928 = arith.addi %parallel_loop3A_926, %parallel_loop3A_927 : vector<16xi32>
        %parallel_loop3A_929 = tpu.vector_load_idx %arg11[%parallel_loop3A_924, %parallel_loop3A_928] : memref<128x64xf32, #tpu.memory_space<vmem>>[vector<16xi32>, vector<16xi32>], vector<16xf32>,
        %parallel_loop3A_930 = arith.constant 8 : i32
        %parallel_loop3A_931 = arith.divsi %parallel_loop3A_896, %parallel_loop3A_930 : i32
        %parallel_loop3A_932 = arith.constant 0 : i32
        %parallel_loop3A_933 = arith.cmpi sgt, %parallel_loop3A_896, %parallel_loop3A_932 : i32
        %parallel_loop3A_934 = arith.extui %parallel_loop3A_933 : i1 to i32
        %parallel_loop3A_935 = arith.constant 0 : i32
        %parallel_loop3A_936 = arith.cmpi slt, %parallel_loop3A_896, %parallel_loop3A_935 : i32
        %parallel_loop3A_937 = arith.extui %parallel_loop3A_936 : i1 to i32
        %parallel_loop3A_938 = arith.subi %parallel_loop3A_934, %parallel_loop3A_937 : i32
        %parallel_loop3A_939 = arith.constant 0 : i32
        %parallel_loop3A_940 = arith.cmpi sgt, %parallel_loop3A_930, %parallel_loop3A_939 : i32
        %parallel_loop3A_941 = arith.extui %parallel_loop3A_940 : i1 to i32
        %parallel_loop3A_942 = arith.constant 0 : i32
        %parallel_loop3A_943 = arith.cmpi slt, %parallel_loop3A_930, %parallel_loop3A_942 : i32
        %parallel_loop3A_944 = arith.extui %parallel_loop3A_943 : i1 to i32
        %parallel_loop3A_945 = arith.subi %parallel_loop3A_941, %parallel_loop3A_944 : i32
        %parallel_loop3A_946 = arith.cmpi ne, %parallel_loop3A_938, %parallel_loop3A_945 : i32
        %parallel_loop3A_947 = arith.remsi %parallel_loop3A_896, %parallel_loop3A_930 : i32
        %parallel_loop3A_948 = arith.constant 0 : i32
        %parallel_loop3A_949 = arith.cmpi ne, %parallel_loop3A_947, %parallel_loop3A_948 : i32
        %parallel_loop3A_950 = arith.andi %parallel_loop3A_946, %parallel_loop3A_949 : i1
        %parallel_loop3A_951 = arith.constant 1 : i32
        %parallel_loop3A_952 = arith.subi %parallel_loop3A_931, %parallel_loop3A_951 : i32
        %parallel_loop3A_953 = arith.select %parallel_loop3A_950, %parallel_loop3A_952, %parallel_loop3A_931 : i32
        %parallel_loop3A_954 = arith.constant 8 : i32
        %parallel_loop3A_955 = arith.constant 0 : i32
        %parallel_loop3A_956 = arith.cmpi eq, %parallel_loop3A_954, %parallel_loop3A_955 : i32
        %parallel_loop3A_957 = arith.constant 1 : i32
        %parallel_loop3A_958 = arith.select %parallel_loop3A_956, %parallel_loop3A_957, %parallel_loop3A_954 : i32
        %parallel_loop3A_959 = arith.remsi %parallel_loop3A_896, %parallel_loop3A_958 : i32
        %parallel_loop3A_960 = arith.constant 0 : i32
        %parallel_loop3A_961 = arith.cmpi ne, %parallel_loop3A_959, %parallel_loop3A_960 : i32
        %parallel_loop3A_962 = arith.constant 0 : i32
        %parallel_loop3A_963 = arith.cmpi slt, %parallel_loop3A_959, %parallel_loop3A_962 : i32
        %parallel_loop3A_964 = arith.constant 0 : i32
        %parallel_loop3A_965 = arith.cmpi slt, %parallel_loop3A_958, %parallel_loop3A_964 : i32
        %parallel_loop3A_966 = arith.xori %parallel_loop3A_963, %parallel_loop3A_965 : i1
        %parallel_loop3A_967 = arith.andi %parallel_loop3A_966, %parallel_loop3A_961 : i1
        %parallel_loop3A_968 = arith.addi %parallel_loop3A_959, %parallel_loop3A_958 : i32
        %parallel_loop3A_969 = arith.select %parallel_loop3A_967, %parallel_loop3A_968, %parallel_loop3A_959 : i32
        %parallel_loop3A_970 = arith.constant 128 : i32
        %parallel_loop3A_971 = arith.muli %parallel_loop3A_969, %parallel_loop3A_970 : i32
        %parallel_loop3A_972 = arith.addi %parallel_loop3A_971, %parallel_loop3A_922 : i32
        %parallel_loop3A_973 = arith.index_cast %parallel_loop3A_953 : i32 to index
        %parallel_loop3A_974 = arith.index_cast %parallel_loop3A_972 : i32 to index
        %parallel_loop3A_975 = tpu.vector_load %arg15[%parallel_loop3A_973, %parallel_loop3A_974] {strides = array<i32>} : memref<8x1024xf32, #tpu.memory_space<vmem>>, vector<16xf32>,
        tpu.vector_store %arg15[%parallel_loop3A_973, %parallel_loop3A_974], %parallel_loop3A_929 {strides = array<i32>} : memref<8x1024xf32, #tpu.memory_space<vmem>>, vector<16xf32>,
      } {sc.loop_unroll_factor = 8 : i64, sc.parallel_access}
      %jit3A_777 = arith.constant 128 : i32
      %div3A_778 = arith.divsi %add3A_729, %jit3A_777 : i32
      %sign3A_779 = arith.constant 0 : i32
      %sign3A_780 = arith.cmpi sgt, %add3A_729, %sign3A_779 : i32
      %sign3A_781 = arith.extui %sign3A_780 : i1 to i32
      %sign3A_782 = arith.constant 0 : i32
      %sign3A_783 = arith.cmpi slt, %add3A_729, %sign3A_782 : i32
      %sign3A_784 = arith.extui %sign3A_783 : i1 to i32
      %sign3A_785 = arith.subi %sign3A_781, %sign3A_784 : i32
      %sign3A_786 = arith.constant 0 : i32
      %sign3A_787 = arith.cmpi sgt, %jit3A_777, %sign3A_786 : i32
      %sign3A_788 = arith.extui %sign3A_787 : i1 to i32
      %sign3A_789 = arith.constant 0 : i32
      %sign3A_790 = arith.cmpi slt, %jit3A_777, %sign3A_789 : i32
      %sign3A_791 = arith.extui %sign3A_790 : i1 to i32
      %sign3A_792 = arith.subi %sign3A_788, %sign3A_791 : i32
      %ne3A_793 = arith.cmpi ne, %sign3A_785, %sign3A_792 : i32
      %rem3A_794 = arith.remsi %add3A_729, %jit3A_777 : i32
      %ne3A_795 = arith.constant 0 : i32
      %ne3A_796 = arith.cmpi ne, %rem3A_794, %ne3A_795 : i32
      %and3A_797 = arith.andi %ne3A_793, %ne3A_796 : i1
      %sub3A_798 = arith.constant 1 : i32
      %sub3A_799 = arith.subi %div3A_778, %sub3A_798 : i32
      %select_n3A_800 = arith.select %and3A_797, %sub3A_799, %div3A_778 : i32
      %rem3A_801 = arith.constant 128 : i32
      %rem3A_802 = arith.remsi %add3A_729, %rem3A_801 : i32
      %dma_start3A_803 = arith.constant 0 : i32
      %dma_start3A_804 = arith.constant 0 : i32
      %dma_start3A_805 = tpu.memref_slice %arg4[%select_n3A_800, %dma_start3A_803, %rem3A_802, %dma_start3A_804] : memref<50x8x128x1024xf32, #tpu.memory_space<hbm>> -> memref<1x8x1x1024xf32, #tpu.memory_space<hbm>>
      %dma_start3A_806 = tpu.memref_squeeze %dma_start3A_805 : memref<1x8x1x1024xf32, #tpu.memory_space<hbm>> -> memref<8x1024xf32, #tpu.memory_space<hbm>>
      %dma_start3A_807 = arith.constant 0 : i32
      %dma_start3A_808 = arith.constant 0 : i32
      %dma_start3A_809 = tpu.memref_slice %arg4[%select_n3A_800, %dma_start3A_807, %rem3A_802, %dma_start3A_808] : memref<50x8x128x1024xf32, #tpu.memory_space<hbm>> -> memref<1x8x1x1024xf32, #tpu.memory_space<hbm>>
      %dma_start3A_810 = tpu.memref_squeeze %dma_start3A_809 : memref<1x8x1x1024xf32, #tpu.memory_space<hbm>> -> memref<8x1024xf32, #tpu.memory_space<hbm>>
      tpu.enqueue_dma source(%arg15 : memref<8x1024xf32, #tpu.memory_space<vmem>>) target(%dma_start3A_810 : memref<8x1024xf32, #tpu.memory_space<hbm>>) target_semaphore(%arg27 : memref<!tpu.dma_semaphore, #tpu.memory_space<semaphore_mem>>)
      %add3A_811 = arith.constant 3 : i32
      %add3A_812 = arith.addi %add3A_417, %add3A_811 : i32
      %dma_wait3A_813 = arith.constant 0 : i32
      %dma_wait3A_814 = arith.constant 0 : i32
      %dma_wait3A_815 = tpu.memref_slice %arg3[%dma_wait3A_813, %dma_wait3A_814] : memref<1000000x64xf32, #tpu.memory_space<hbm>> -> memref<1000000x64xf32, #tpu.memory_space<hbm>>
      tpu.wait_indirect_dma semaphore(%arg24 : memref<!tpu.dma_semaphore, #tpu.memory_space<semaphore_mem>>) src(%dma_wait3A_815 : memref<1000000x64xf32, #tpu.memory_space<hbm>>) dst(%arg12 : memref<128x64xf32, #tpu.memory_space<vmem>>)
      %add3A_816 = arith.constant 4 : i32
      %add3A_817 = arith.addi %add3A_812, %add3A_816 : i32
      %min3A_818 = arith.constant 6399 : i32
      %min3A_819 = arith.minsi %add3A_817, %min3A_818 : i32
      %jit3A_820 = arith.constant 128 : i32
      %div3A_821 = arith.divsi %min3A_819, %jit3A_820 : i32
      %sign3A_822 = arith.constant 0 : i32
      %sign3A_823 = arith.cmpi sgt, %min3A_819, %sign3A_822 : i32
      %sign3A_824 = arith.extui %sign3A_823 : i1 to i32
      %sign3A_825 = arith.constant 0 : i32
      %sign3A_826 = arith.cmpi slt, %min3A_819, %sign3A_825 : i32
      %sign3A_827 = arith.extui %sign3A_826 : i1 to i32
      %sign3A_828 = arith.subi %sign3A_824, %sign3A_827 : i32
      %sign3A_829 = arith.constant 0 : i32
      %sign3A_830 = arith.cmpi sgt, %jit3A_820, %sign3A_829 : i32
      %sign3A_831 = arith.extui %sign3A_830 : i1 to i32
      %sign3A_832 = arith.constant 0 : i32
      %sign3A_833 = arith.cmpi slt, %jit3A_820, %sign3A_832 : i32
      %sign3A_834 = arith.extui %sign3A_833 : i1 to i32
      %sign3A_835 = arith.subi %sign3A_831, %sign3A_834 : i32
      %ne3A_836 = arith.cmpi ne, %sign3A_828, %sign3A_835 : i32
      %rem3A_837 = arith.remsi %min3A_819, %jit3A_820 : i32
      %ne3A_838 = arith.constant 0 : i32
      %ne3A_839 = arith.cmpi ne, %rem3A_837, %ne3A_838 : i32
      %and3A_840 = arith.andi %ne3A_836, %ne3A_839 : i1
      %sub3A_841 = arith.constant 1 : i32
      %sub3A_842 = arith.subi %div3A_821, %sub3A_841 : i32
      %select_n3A_843 = arith.select %and3A_840, %sub3A_842, %div3A_821 : i32
      %rem3A_844 = arith.constant 128 : i32
      %rem3A_845 = arith.remsi %min3A_819, %rem3A_844 : i32
      %mul3A_846 = arith.constant 128 : i32
      %mul3A_847 = arith.muli %rem3A_845, %mul3A_846 : i32
      %dma_start3A_848 = tpu.memref_slice %arg2[%select_n3A_843, %mul3A_847] : memref<50x16384xi32, #tpu.memory_space<hbm>> -> memref<1x128xi32, #tpu.memory_space<hbm>>
      %dma_start3A_849 = tpu.memref_squeeze %dma_start3A_848 : memref<1x128xi32, #tpu.memory_space<hbm>> -> memref<128xi32, #tpu.memory_space<hbm>>
      %dma_start3A_850 = tpu.memref_slice %arg2[%select_n3A_843, %mul3A_847] : memref<50x16384xi32, #tpu.memory_space<hbm>> -> memref<1x128xi32, #tpu.memory_space<hbm>>
      %dma_start3A_851 = tpu.memref_squeeze %dma_start3A_850 : memref<1x128xi32, #tpu.memory_space<hbm>> -> memref<128xi32, #tpu.memory_space<hbm>>
      tpu.enqueue_dma source(%dma_start3A_851 : memref<128xi32, #tpu.memory_space<hbm>>) target(%arg8 : memref<128xi32, #tpu.memory_space<vmem>>) target_semaphore(%arg20 : memref<!tpu.dma_semaphore, #tpu.memory_space<semaphore_mem>>)
      %ne3A_852 = arith.constant 0 : i32
      %ne3A_853 = arith.cmpi ne, %scan3A_414, %ne3A_852 : i32
      %convert_element_type3A_854 = arith.extui %ne3A_853 : i1 to i32
      %cond3A_855 = arith.constant 0 : i32
      %cond3A_856 = arith.cmpi ne, %convert_element_type3A_854, %cond3A_855 : i32
      scf.if %cond3A_856 {
        %sub3A_894 = arith.constant 4 : i32
        %sub3A_895 = arith.subi %add3A_812, %sub3A_894 : i32
        %jit3A_896 = arith.constant 128 : i32
        %div3A_897 = arith.divsi %sub3A_895, %jit3A_896 : i32
        %sign3A_898 = arith.constant 0 : i32
        %sign3A_899 = arith.cmpi sgt, %sub3A_895, %sign3A_898 : i32
        %sign3A_900 = arith.extui %sign3A_899 : i1 to i32
        %sign3A_901 = arith.constant 0 : i32
        %sign3A_902 = arith.cmpi slt, %sub3A_895, %sign3A_901 : i32
        %sign3A_903 = arith.extui %sign3A_902 : i1 to i32
        %sign3A_904 = arith.subi %sign3A_900, %sign3A_903 : i32
        %sign3A_905 = arith.constant 0 : i32
        %sign3A_906 = arith.cmpi sgt, %jit3A_896, %sign3A_905 : i32
        %sign3A_907 = arith.extui %sign3A_906 : i1 to i32
        %sign3A_908 = arith.constant 0 : i32
        %sign3A_909 = arith.cmpi slt, %jit3A_896, %sign3A_908 : i32
        %sign3A_910 = arith.extui %sign3A_909 : i1 to i32
        %sign3A_911 = arith.subi %sign3A_907, %sign3A_910 : i32
        %ne3A_912 = arith.cmpi ne, %sign3A_904, %sign3A_911 : i32
        %rem3A_913 = arith.remsi %sub3A_895, %jit3A_896 : i32
        %ne3A_914 = arith.constant 0 : i32
        %ne3A_915 = arith.cmpi ne, %rem3A_913, %ne3A_914 : i32
        %and3A_916 = arith.andi %ne3A_912, %ne3A_915 : i1
        %sub3A_917 = arith.constant 1 : i32
        %sub3A_918 = arith.subi %div3A_897, %sub3A_917 : i32
        %select_n3A_919 = arith.select %and3A_916, %sub3A_918, %div3A_897 : i32
        %rem3A_920 = arith.constant 128 : i32
        %rem3A_921 = arith.remsi %sub3A_895, %rem3A_920 : i32
        %dma_wait3A_922 = arith.constant 0 : i32
        %dma_wait3A_923 = arith.constant 0 : i32
        %dma_wait3A_924 = tpu.memref_slice %arg4[%select_n3A_919, %dma_wait3A_922, %rem3A_921, %dma_wait3A_923] : memref<50x8x128x1024xf32, #tpu.memory_space<hbm>> -> memref<1x8x1x1024xf32, #tpu.memory_space<hbm>>
        %dma_wait3A_925 = tpu.memref_squeeze %dma_wait3A_924 : memref<1x8x1x1024xf32, #tpu.memory_space<hbm>> -> memref<8x1024xf32, #tpu.memory_space<hbm>>
        %dma_wait3A_926 = arith.constant 0 : i32
        %dma_wait3A_927 = arith.constant 0 : i32
        %dma_wait3A_928 = tpu.memref_slice %arg4[%select_n3A_919, %dma_wait3A_926, %rem3A_921, %dma_wait3A_927] : memref<50x8x128x1024xf32, #tpu.memory_space<hbm>> -> memref<1x8x1x1024xf32, #tpu.memory_space<hbm>>
        %dma_wait3A_929 = tpu.memref_squeeze %dma_wait3A_928 : memref<1x8x1x1024xf32, #tpu.memory_space<hbm>> -> memref<8x1024xf32, #tpu.memory_space<hbm>>
        tpu.wait_dma2 semaphore(%arg28 : memref<!tpu.dma_semaphore, #tpu.memory_space<semaphore_mem>>) src(%arg16 : memref<8x1024xf32, #tpu.memory_space<vmem>>) dst(%dma_wait3A_929 : memref<8x1024xf32, #tpu.memory_space<hbm>>)
      } else {
      }
      %parallel_loop3A_857 = arith.constant 0 : i32
      %parallel_loop3A_858 = arith.constant 512 : i32
      %parallel_loop3A_859 = arith.constant 1 : i32
      scf.for %parallel_loop3A_894 = %parallel_loop3A_857 to %parallel_loop3A_858 step %parallel_loop3A_859  : i32 {
        %parallel_loop3A_895 = arith.constant 63 : i32
        %parallel_loop3A_896 = arith.andi %parallel_loop3A_894, %parallel_loop3A_895 : i32
        %parallel_loop3A_897 = arith.constant 64 : i32
        %parallel_loop3A_898 = arith.divsi %parallel_loop3A_894, %parallel_loop3A_897 : i32
        %parallel_loop3A_899 = arith.constant 0 : i32
        %parallel_loop3A_900 = arith.cmpi sgt, %parallel_loop3A_894, %parallel_loop3A_899 : i32
        %parallel_loop3A_901 = arith.extui %parallel_loop3A_900 : i1 to i32
        %parallel_loop3A_902 = arith.constant 0 : i32
        %parallel_loop3A_903 = arith.cmpi slt, %parallel_loop3A_894, %parallel_loop3A_902 : i32
        %parallel_loop3A_904 = arith.extui %parallel_loop3A_903 : i1 to i32
        %parallel_loop3A_905 = arith.subi %parallel_loop3A_901, %parallel_loop3A_904 : i32
        %parallel_loop3A_906 = arith.constant 0 : i32
        %parallel_loop3A_907 = arith.cmpi sgt, %parallel_loop3A_897, %parallel_loop3A_906 : i32
        %parallel_loop3A_908 = arith.extui %parallel_loop3A_907 : i1 to i32
        %parallel_loop3A_909 = arith.constant 0 : i32
        %parallel_loop3A_910 = arith.cmpi slt, %parallel_loop3A_897, %parallel_loop3A_909 : i32
        %parallel_loop3A_911 = arith.extui %parallel_loop3A_910 : i1 to i32
        %parallel_loop3A_912 = arith.subi %parallel_loop3A_908, %parallel_loop3A_911 : i32
        %parallel_loop3A_913 = arith.cmpi ne, %parallel_loop3A_905, %parallel_loop3A_912 : i32
        %parallel_loop3A_914 = arith.remsi %parallel_loop3A_894, %parallel_loop3A_897 : i32
        %parallel_loop3A_915 = arith.constant 0 : i32
        %parallel_loop3A_916 = arith.cmpi ne, %parallel_loop3A_914, %parallel_loop3A_915 : i32
        %parallel_loop3A_917 = arith.andi %parallel_loop3A_913, %parallel_loop3A_916 : i1
        %parallel_loop3A_918 = arith.constant 1 : i32
        %parallel_loop3A_919 = arith.subi %parallel_loop3A_898, %parallel_loop3A_918 : i32
        %parallel_loop3A_920 = arith.select %parallel_loop3A_917, %parallel_loop3A_919, %parallel_loop3A_898 : i32
        %parallel_loop3A_921 = arith.constant 16 : i32
        %parallel_loop3A_922 = arith.muli %parallel_loop3A_920, %parallel_loop3A_921 : i32
        %parallel_loop3A_923 = vector.broadcast %parallel_loop3A_922 : i32 to vector<16xi32>
        %parallel_loop3A_924 = arith.addi %iota3A, %parallel_loop3A_923 : vector<16xi32>
        %parallel_loop3A_925 = arith.constant 0 : i32
        %parallel_loop3A_926 = vector.broadcast %parallel_loop3A_925 : i32 to vector<16xi32>
        %parallel_loop3A_927 = vector.broadcast %parallel_loop3A_896 : i32 to vector<16xi32>
        %parallel_loop3A_928 = arith.addi %parallel_loop3A_926, %parallel_loop3A_927 : vector<16xi32>
        %parallel_loop3A_929 = tpu.vector_load_idx %arg12[%parallel_loop3A_924, %parallel_loop3A_928] : memref<128x64xf32, #tpu.memory_space<vmem>>[vector<16xi32>, vector<16xi32>], vector<16xf32>,
        %parallel_loop3A_930 = arith.constant 8 : i32
        %parallel_loop3A_931 = arith.divsi %parallel_loop3A_896, %parallel_loop3A_930 : i32
        %parallel_loop3A_932 = arith.constant 0 : i32
        %parallel_loop3A_933 = arith.cmpi sgt, %parallel_loop3A_896, %parallel_loop3A_932 : i32
        %parallel_loop3A_934 = arith.extui %parallel_loop3A_933 : i1 to i32
        %parallel_loop3A_935 = arith.constant 0 : i32
        %parallel_loop3A_936 = arith.cmpi slt, %parallel_loop3A_896, %parallel_loop3A_935 : i32
        %parallel_loop3A_937 = arith.extui %parallel_loop3A_936 : i1 to i32
        %parallel_loop3A_938 = arith.subi %parallel_loop3A_934, %parallel_loop3A_937 : i32
        %parallel_loop3A_939 = arith.constant 0 : i32
        %parallel_loop3A_940 = arith.cmpi sgt, %parallel_loop3A_930, %parallel_loop3A_939 : i32
        %parallel_loop3A_941 = arith.extui %parallel_loop3A_940 : i1 to i32
        %parallel_loop3A_942 = arith.constant 0 : i32
        %parallel_loop3A_943 = arith.cmpi slt, %parallel_loop3A_930, %parallel_loop3A_942 : i32
        %parallel_loop3A_944 = arith.extui %parallel_loop3A_943 : i1 to i32
        %parallel_loop3A_945 = arith.subi %parallel_loop3A_941, %parallel_loop3A_944 : i32
        %parallel_loop3A_946 = arith.cmpi ne, %parallel_loop3A_938, %parallel_loop3A_945 : i32
        %parallel_loop3A_947 = arith.remsi %parallel_loop3A_896, %parallel_loop3A_930 : i32
        %parallel_loop3A_948 = arith.constant 0 : i32
        %parallel_loop3A_949 = arith.cmpi ne, %parallel_loop3A_947, %parallel_loop3A_948 : i32
        %parallel_loop3A_950 = arith.andi %parallel_loop3A_946, %parallel_loop3A_949 : i1
        %parallel_loop3A_951 = arith.constant 1 : i32
        %parallel_loop3A_952 = arith.subi %parallel_loop3A_931, %parallel_loop3A_951 : i32
        %parallel_loop3A_953 = arith.select %parallel_loop3A_950, %parallel_loop3A_952, %parallel_loop3A_931 : i32
        %parallel_loop3A_954 = arith.constant 8 : i32
        %parallel_loop3A_955 = arith.constant 0 : i32
        %parallel_loop3A_956 = arith.cmpi eq, %parallel_loop3A_954, %parallel_loop3A_955 : i32
        %parallel_loop3A_957 = arith.constant 1 : i32
        %parallel_loop3A_958 = arith.select %parallel_loop3A_956, %parallel_loop3A_957, %parallel_loop3A_954 : i32
        %parallel_loop3A_959 = arith.remsi %parallel_loop3A_896, %parallel_loop3A_958 : i32
        %parallel_loop3A_960 = arith.constant 0 : i32
        %parallel_loop3A_961 = arith.cmpi ne, %parallel_loop3A_959, %parallel_loop3A_960 : i32
        %parallel_loop3A_962 = arith.constant 0 : i32
        %parallel_loop3A_963 = arith.cmpi slt, %parallel_loop3A_959, %parallel_loop3A_962 : i32
        %parallel_loop3A_964 = arith.constant 0 : i32
        %parallel_loop3A_965 = arith.cmpi slt, %parallel_loop3A_958, %parallel_loop3A_964 : i32
        %parallel_loop3A_966 = arith.xori %parallel_loop3A_963, %parallel_loop3A_965 : i1
        %parallel_loop3A_967 = arith.andi %parallel_loop3A_966, %parallel_loop3A_961 : i1
        %parallel_loop3A_968 = arith.addi %parallel_loop3A_959, %parallel_loop3A_958 : i32
        %parallel_loop3A_969 = arith.select %parallel_loop3A_967, %parallel_loop3A_968, %parallel_loop3A_959 : i32
        %parallel_loop3A_970 = arith.constant 128 : i32
        %parallel_loop3A_971 = arith.muli %parallel_loop3A_969, %parallel_loop3A_970 : i32
        %parallel_loop3A_972 = arith.addi %parallel_loop3A_971, %parallel_loop3A_922 : i32
        %parallel_loop3A_973 = arith.index_cast %parallel_loop3A_953 : i32 to index
        %parallel_loop3A_974 = arith.index_cast %parallel_loop3A_972 : i32 to index
        %parallel_loop3A_975 = tpu.vector_load %arg16[%parallel_loop3A_973, %parallel_loop3A_974] {strides = array<i32>} : memref<8x1024xf32, #tpu.memory_space<vmem>>, vector<16xf32>,
        tpu.vector_store %arg16[%parallel_loop3A_973, %parallel_loop3A_974], %parallel_loop3A_929 {strides = array<i32>} : memref<8x1024xf32, #tpu.memory_space<vmem>>, vector<16xf32>,
      } {sc.loop_unroll_factor = 8 : i64, sc.parallel_access}
      %jit3A_860 = arith.constant 128 : i32
      %div3A_861 = arith.divsi %add3A_812, %jit3A_860 : i32
      %sign3A_862 = arith.constant 0 : i32
      %sign3A_863 = arith.cmpi sgt, %add3A_812, %sign3A_862 : i32
      %sign3A_864 = arith.extui %sign3A_863 : i1 to i32
      %sign3A_865 = arith.constant 0 : i32
      %sign3A_866 = arith.cmpi slt, %add3A_812, %sign3A_865 : i32
      %sign3A_867 = arith.extui %sign3A_866 : i1 to i32
      %sign3A_868 = arith.subi %sign3A_864, %sign3A_867 : i32
      %sign3A_869 = arith.constant 0 : i32
      %sign3A_870 = arith.cmpi sgt, %jit3A_860, %sign3A_869 : i32
      %sign3A_871 = arith.extui %sign3A_870 : i1 to i32
      %sign3A_872 = arith.constant 0 : i32
      %sign3A_873 = arith.cmpi slt, %jit3A_860, %sign3A_872 : i32
      %sign3A_874 = arith.extui %sign3A_873 : i1 to i32
      %sign3A_875 = arith.subi %sign3A_871, %sign3A_874 : i32
      %ne3A_876 = arith.cmpi ne, %sign3A_868, %sign3A_875 : i32
      %rem3A_877 = arith.remsi %add3A_812, %jit3A_860 : i32
      %ne3A_878 = arith.constant 0 : i32
      %ne3A_879 = arith.cmpi ne, %rem3A_877, %ne3A_878 : i32
      %and3A_880 = arith.andi %ne3A_876, %ne3A_879 : i1
      %sub3A_881 = arith.constant 1 : i32
      %sub3A_882 = arith.subi %div3A_861, %sub3A_881 : i32
      %select_n3A_883 = arith.select %and3A_880, %sub3A_882, %div3A_861 : i32
      %rem3A_884 = arith.constant 128 : i32
      %rem3A_885 = arith.remsi %add3A_812, %rem3A_884 : i32
      %dma_start3A_886 = arith.constant 0 : i32
      %dma_start3A_887 = arith.constant 0 : i32
      %dma_start3A_888 = tpu.memref_slice %arg4[%select_n3A_883, %dma_start3A_886, %rem3A_885, %dma_start3A_887] : memref<50x8x128x1024xf32, #tpu.memory_space<hbm>> -> memref<1x8x1x1024xf32, #tpu.memory_space<hbm>>
      %dma_start3A_889 = tpu.memref_squeeze %dma_start3A_888 : memref<1x8x1x1024xf32, #tpu.memory_space<hbm>> -> memref<8x1024xf32, #tpu.memory_space<hbm>>
      %dma_start3A_890 = arith.constant 0 : i32
      %dma_start3A_891 = arith.constant 0 : i32
      %dma_start3A_892 = tpu.memref_slice %arg4[%select_n3A_883, %dma_start3A_890, %rem3A_885, %dma_start3A_891] : memref<50x8x128x1024xf32, #tpu.memory_space<hbm>> -> memref<1x8x1x1024xf32, #tpu.memory_space<hbm>>
      %dma_start3A_893 = tpu.memref_squeeze %dma_start3A_892 : memref<1x8x1x1024xf32, #tpu.memory_space<hbm>> -> memref<8x1024xf32, #tpu.memory_space<hbm>>
      tpu.enqueue_dma source(%arg16 : memref<8x1024xf32, #tpu.memory_space<vmem>>) target(%dma_start3A_893 : memref<8x1024xf32, #tpu.memory_space<hbm>>) target_semaphore(%arg28 : memref<!tpu.dma_semaphore, #tpu.memory_space<semaphore_mem>>)
    }
    %scan3A_134 = arith.constant 50 : i32
    %add3A_135 = arith.constant 196 : i32
    %add3A_136 = arith.addi %mul3A_2, %add3A_135 : i32
    %add3A_137 = arith.constant 0 : i32
    %add3A_138 = arith.addi %add3A_136, %add3A_137 : i32
    %jit3A_139 = arith.constant 128 : i32
    %div3A_140 = arith.divsi %add3A_138, %jit3A_139 : i32
    %sign3A_141 = arith.constant 0 : i32
    %sign3A_142 = arith.cmpi sgt, %add3A_138, %sign3A_141 : i32
    %sign3A_143 = arith.extui %sign3A_142 : i1 to i32
    %sign3A_144 = arith.constant 0 : i32
    %sign3A_145 = arith.cmpi slt, %add3A_138, %sign3A_144 : i32
    %sign3A_146 = arith.extui %sign3A_145 : i1 to i32
    %sign3A_147 = arith.subi %sign3A_143, %sign3A_146 : i32
    %sign3A_148 = arith.constant 0 : i32
    %sign3A_149 = arith.cmpi sgt, %jit3A_139, %sign3A_148 : i32
    %sign3A_150 = arith.extui %sign3A_149 : i1 to i32
    %sign3A_151 = arith.constant 0 : i32
    %sign3A_152 = arith.cmpi slt, %jit3A_139, %sign3A_151 : i32
    %sign3A_153 = arith.extui %sign3A_152 : i1 to i32
    %sign3A_154 = arith.subi %sign3A_150, %sign3A_153 : i32
    %ne3A_155 = arith.cmpi ne, %sign3A_147, %sign3A_154 : i32
    %rem3A_156 = arith.remsi %add3A_138, %jit3A_139 : i32
    %ne3A_157 = arith.constant 0 : i32
    %ne3A_158 = arith.cmpi ne, %rem3A_156, %ne3A_157 : i32
    %and3A_159 = arith.andi %ne3A_155, %ne3A_158 : i1
    %sub3A_160 = arith.constant 1 : i32
    %sub3A_161 = arith.subi %div3A_140, %sub3A_160 : i32
    %select_n3A_162 = arith.select %and3A_159, %sub3A_161, %div3A_140 : i32
    %rem3A_163 = arith.constant 128 : i32
    %rem3A_164 = arith.remsi %add3A_138, %rem3A_163 : i32
    %dma_wait3A = arith.constant 0 : i32
    %dma_wait3A_165 = arith.constant 0 : i32
    %dma_wait3A_166 = tpu.memref_slice %arg4[%select_n3A_162, %dma_wait3A, %rem3A_164, %dma_wait3A_165] : memref<50x8x128x1024xf32, #tpu.memory_space<hbm>> -> memref<1x8x1x1024xf32, #tpu.memory_space<hbm>>
    %dma_wait3A_167 = tpu.memref_squeeze %dma_wait3A_166 : memref<1x8x1x1024xf32, #tpu.memory_space<hbm>> -> memref<8x1024xf32, #tpu.memory_space<hbm>>
    %dma_wait3A_168 = arith.constant 0 : i32
    %dma_wait3A_169 = arith.constant 0 : i32
    %dma_wait3A_170 = tpu.memref_slice %arg4[%select_n3A_162, %dma_wait3A_168, %rem3A_164, %dma_wait3A_169] : memref<50x8x128x1024xf32, #tpu.memory_space<hbm>> -> memref<1x8x1x1024xf32, #tpu.memory_space<hbm>>
    %dma_wait3A_171 = tpu.memref_squeeze %dma_wait3A_170 : memref<1x8x1x1024xf32, #tpu.memory_space<hbm>> -> memref<8x1024xf32, #tpu.memory_space<hbm>>
    tpu.wait_dma2 semaphore(%arg25 : memref<!tpu.dma_semaphore, #tpu.memory_space<semaphore_mem>>) src(%arg13 : memref<8x1024xf32, #tpu.memory_space<vmem>>) dst(%dma_wait3A_171 : memref<8x1024xf32, #tpu.memory_space<hbm>>)
    %jit3A_172 = arith.constant 128 : i32
    %div3A_173 = arith.divsi %add3A_138, %jit3A_172 : i32
    %sign3A_174 = arith.constant 0 : i32
    %sign3A_175 = arith.cmpi sgt, %add3A_138, %sign3A_174 : i32
    %sign3A_176 = arith.extui %sign3A_175 : i1 to i32
    %sign3A_177 = arith.constant 0 : i32
    %sign3A_178 = arith.cmpi slt, %add3A_138, %sign3A_177 : i32
    %sign3A_179 = arith.extui %sign3A_178 : i1 to i32
    %sign3A_180 = arith.subi %sign3A_176, %sign3A_179 : i32
    %sign3A_181 = arith.constant 0 : i32
    %sign3A_182 = arith.cmpi sgt, %jit3A_172, %sign3A_181 : i32
    %sign3A_183 = arith.extui %sign3A_182 : i1 to i32
    %sign3A_184 = arith.constant 0 : i32
    %sign3A_185 = arith.cmpi slt, %jit3A_172, %sign3A_184 : i32
    %sign3A_186 = arith.extui %sign3A_185 : i1 to i32
    %sign3A_187 = arith.subi %sign3A_183, %sign3A_186 : i32
    %ne3A_188 = arith.cmpi ne, %sign3A_180, %sign3A_187 : i32
    %rem3A_189 = arith.remsi %add3A_138, %jit3A_172 : i32
    %ne3A_190 = arith.constant 0 : i32
    %ne3A_191 = arith.cmpi ne, %rem3A_189, %ne3A_190 : i32
    %and3A_192 = arith.andi %ne3A_188, %ne3A_191 : i1
    %sub3A_193 = arith.constant 1 : i32
    %sub3A_194 = arith.subi %div3A_173, %sub3A_193 : i32
    %select_n3A_195 = arith.select %and3A_192, %sub3A_194, %div3A_173 : i32
    %rem3A_196 = arith.constant 128 : i32
    %rem3A_197 = arith.remsi %add3A_138, %rem3A_196 : i32
    %mul3A_198 = arith.constant 128 : i32
    %mul3A_199 = arith.muli %rem3A_197, %mul3A_198 : i32
    %dma_wait3A_200 = tpu.memref_slice %arg2[%select_n3A_195, %mul3A_199] : memref<50x16384xi32, #tpu.memory_space<hbm>> -> memref<1x128xi32, #tpu.memory_space<hbm>>
    %dma_wait3A_201 = tpu.memref_squeeze %dma_wait3A_200 : memref<1x128xi32, #tpu.memory_space<hbm>> -> memref<128xi32, #tpu.memory_space<hbm>>
    %dma_wait3A_202 = tpu.memref_slice %arg2[%select_n3A_195, %mul3A_199] : memref<50x16384xi32, #tpu.memory_space<hbm>> -> memref<1x128xi32, #tpu.memory_space<hbm>>
    %dma_wait3A_203 = tpu.memref_squeeze %dma_wait3A_202 : memref<1x128xi32, #tpu.memory_space<hbm>> -> memref<128xi32, #tpu.memory_space<hbm>>
    tpu.wait_dma2 semaphore(%arg17 : memref<!tpu.dma_semaphore, #tpu.memory_space<semaphore_mem>>) src(%dma_wait3A_203 : memref<128xi32, #tpu.memory_space<hbm>>) dst(%arg5 : memref<128xi32, #tpu.memory_space<vmem>>)
    %add3A_204 = arith.constant 196 : i32
    %add3A_205 = arith.addi %mul3A_2, %add3A_204 : i32
    %add3A_206 = arith.constant 1 : i32
    %add3A_207 = arith.addi %add3A_205, %add3A_206 : i32
    %jit3A_208 = arith.constant 128 : i32
    %div3A_209 = arith.divsi %add3A_207, %jit3A_208 : i32
    %sign3A_210 = arith.constant 0 : i32
    %sign3A_211 = arith.cmpi sgt, %add3A_207, %sign3A_210 : i32
    %sign3A_212 = arith.extui %sign3A_211 : i1 to i32
    %sign3A_213 = arith.constant 0 : i32
    %sign3A_214 = arith.cmpi slt, %add3A_207, %sign3A_213 : i32
    %sign3A_215 = arith.extui %sign3A_214 : i1 to i32
    %sign3A_216 = arith.subi %sign3A_212, %sign3A_215 : i32
    %sign3A_217 = arith.constant 0 : i32
    %sign3A_218 = arith.cmpi sgt, %jit3A_208, %sign3A_217 : i32
    %sign3A_219 = arith.extui %sign3A_218 : i1 to i32
    %sign3A_220 = arith.constant 0 : i32
    %sign3A_221 = arith.cmpi slt, %jit3A_208, %sign3A_220 : i32
    %sign3A_222 = arith.extui %sign3A_221 : i1 to i32
    %sign3A_223 = arith.subi %sign3A_219, %sign3A_222 : i32
    %ne3A_224 = arith.cmpi ne, %sign3A_216, %sign3A_223 : i32
    %rem3A_225 = arith.remsi %add3A_207, %jit3A_208 : i32
    %ne3A_226 = arith.constant 0 : i32
    %ne3A_227 = arith.cmpi ne, %rem3A_225, %ne3A_226 : i32
    %and3A_228 = arith.andi %ne3A_224, %ne3A_227 : i1
    %sub3A_229 = arith.constant 1 : i32
    %sub3A_230 = arith.subi %div3A_209, %sub3A_229 : i32
    %select_n3A_231 = arith.select %and3A_228, %sub3A_230, %div3A_209 : i32
    %rem3A_232 = arith.constant 128 : i32
    %rem3A_233 = arith.remsi %add3A_207, %rem3A_232 : i32
    %dma_wait3A_234 = arith.constant 0 : i32
    %dma_wait3A_235 = arith.constant 0 : i32
    %dma_wait3A_236 = tpu.memref_slice %arg4[%select_n3A_231, %dma_wait3A_234, %rem3A_233, %dma_wait3A_235] : memref<50x8x128x1024xf32, #tpu.memory_space<hbm>> -> memref<1x8x1x1024xf32, #tpu.memory_space<hbm>>
    %dma_wait3A_237 = tpu.memref_squeeze %dma_wait3A_236 : memref<1x8x1x1024xf32, #tpu.memory_space<hbm>> -> memref<8x1024xf32, #tpu.memory_space<hbm>>
    %dma_wait3A_238 = arith.constant 0 : i32
    %dma_wait3A_239 = arith.constant 0 : i32
    %dma_wait3A_240 = tpu.memref_slice %arg4[%select_n3A_231, %dma_wait3A_238, %rem3A_233, %dma_wait3A_239] : memref<50x8x128x1024xf32, #tpu.memory_space<hbm>> -> memref<1x8x1x1024xf32, #tpu.memory_space<hbm>>
    %dma_wait3A_241 = tpu.memref_squeeze %dma_wait3A_240 : memref<1x8x1x1024xf32, #tpu.memory_space<hbm>> -> memref<8x1024xf32, #tpu.memory_space<hbm>>
    tpu.wait_dma2 semaphore(%arg26 : memref<!tpu.dma_semaphore, #tpu.memory_space<semaphore_mem>>) src(%arg14 : memref<8x1024xf32, #tpu.memory_space<vmem>>) dst(%dma_wait3A_241 : memref<8x1024xf32, #tpu.memory_space<hbm>>)
    %jit3A_242 = arith.constant 128 : i32
    %div3A_243 = arith.divsi %add3A_207, %jit3A_242 : i32
    %sign3A_244 = arith.constant 0 : i32
    %sign3A_245 = arith.cmpi sgt, %add3A_207, %sign3A_244 : i32
    %sign3A_246 = arith.extui %sign3A_245 : i1 to i32
    %sign3A_247 = arith.constant 0 : i32
    %sign3A_248 = arith.cmpi slt, %add3A_207, %sign3A_247 : i32
    %sign3A_249 = arith.extui %sign3A_248 : i1 to i32
    %sign3A_250 = arith.subi %sign3A_246, %sign3A_249 : i32
    %sign3A_251 = arith.constant 0 : i32
    %sign3A_252 = arith.cmpi sgt, %jit3A_242, %sign3A_251 : i32
    %sign3A_253 = arith.extui %sign3A_252 : i1 to i32
    %sign3A_254 = arith.constant 0 : i32
    %sign3A_255 = arith.cmpi slt, %jit3A_242, %sign3A_254 : i32
    %sign3A_256 = arith.extui %sign3A_255 : i1 to i32
    %sign3A_257 = arith.subi %sign3A_253, %sign3A_256 : i32
    %ne3A_258 = arith.cmpi ne, %sign3A_250, %sign3A_257 : i32
    %rem3A_259 = arith.remsi %add3A_207, %jit3A_242 : i32
    %ne3A_260 = arith.constant 0 : i32
    %ne3A_261 = arith.cmpi ne, %rem3A_259, %ne3A_260 : i32
    %and3A_262 = arith.andi %ne3A_258, %ne3A_261 : i1
    %sub3A_263 = arith.constant 1 : i32
    %sub3A_264 = arith.subi %div3A_243, %sub3A_263 : i32
    %select_n3A_265 = arith.select %and3A_262, %sub3A_264, %div3A_243 : i32
    %rem3A_266 = arith.constant 128 : i32
    %rem3A_267 = arith.remsi %add3A_207, %rem3A_266 : i32
    %mul3A_268 = arith.constant 128 : i32
    %mul3A_269 = arith.muli %rem3A_267, %mul3A_268 : i32
    %dma_wait3A_270 = tpu.memref_slice %arg2[%select_n3A_265, %mul3A_269] : memref<50x16384xi32, #tpu.memory_space<hbm>> -> memref<1x128xi32, #tpu.memory_space<hbm>>
    %dma_wait3A_271 = tpu.memref_squeeze %dma_wait3A_270 : memref<1x128xi32, #tpu.memory_space<hbm>> -> memref<128xi32, #tpu.memory_space<hbm>>
    %dma_wait3A_272 = tpu.memref_slice %arg2[%select_n3A_265, %mul3A_269] : memref<50x16384xi32, #tpu.memory_space<hbm>> -> memref<1x128xi32, #tpu.memory_space<hbm>>
    %dma_wait3A_273 = tpu.memref_squeeze %dma_wait3A_272 : memref<1x128xi32, #tpu.memory_space<hbm>> -> memref<128xi32, #tpu.memory_space<hbm>>
    tpu.wait_dma2 semaphore(%arg18 : memref<!tpu.dma_semaphore, #tpu.memory_space<semaphore_mem>>) src(%dma_wait3A_273 : memref<128xi32, #tpu.memory_space<hbm>>) dst(%arg6 : memref<128xi32, #tpu.memory_space<vmem>>)
    %add3A_274 = arith.constant 196 : i32
    %add3A_275 = arith.addi %mul3A_2, %add3A_274 : i32
    %add3A_276 = arith.constant 2 : i32
    %add3A_277 = arith.addi %add3A_275, %add3A_276 : i32
    %jit3A_278 = arith.constant 128 : i32
    %div3A_279 = arith.divsi %add3A_277, %jit3A_278 : i32
    %sign3A_280 = arith.constant 0 : i32
    %sign3A_281 = arith.cmpi sgt, %add3A_277, %sign3A_280 : i32
    %sign3A_282 = arith.extui %sign3A_281 : i1 to i32
    %sign3A_283 = arith.constant 0 : i32
    %sign3A_284 = arith.cmpi slt, %add3A_277, %sign3A_283 : i32
    %sign3A_285 = arith.extui %sign3A_284 : i1 to i32
    %sign3A_286 = arith.subi %sign3A_282, %sign3A_285 : i32
    %sign3A_287 = arith.constant 0 : i32
    %sign3A_288 = arith.cmpi sgt, %jit3A_278, %sign3A_287 : i32
    %sign3A_289 = arith.extui %sign3A_288 : i1 to i32
    %sign3A_290 = arith.constant 0 : i32
    %sign3A_291 = arith.cmpi slt, %jit3A_278, %sign3A_290 : i32
    %sign3A_292 = arith.extui %sign3A_291 : i1 to i32
    %sign3A_293 = arith.subi %sign3A_289, %sign3A_292 : i32
    %ne3A_294 = arith.cmpi ne, %sign3A_286, %sign3A_293 : i32
    %rem3A_295 = arith.remsi %add3A_277, %jit3A_278 : i32
    %ne3A_296 = arith.constant 0 : i32
    %ne3A_297 = arith.cmpi ne, %rem3A_295, %ne3A_296 : i32
    %and3A_298 = arith.andi %ne3A_294, %ne3A_297 : i1
    %sub3A_299 = arith.constant 1 : i32
    %sub3A_300 = arith.subi %div3A_279, %sub3A_299 : i32
    %select_n3A_301 = arith.select %and3A_298, %sub3A_300, %div3A_279 : i32
    %rem3A_302 = arith.constant 128 : i32
    %rem3A_303 = arith.remsi %add3A_277, %rem3A_302 : i32
    %dma_wait3A_304 = arith.constant 0 : i32
    %dma_wait3A_305 = arith.constant 0 : i32
    %dma_wait3A_306 = tpu.memref_slice %arg4[%select_n3A_301, %dma_wait3A_304, %rem3A_303, %dma_wait3A_305] : memref<50x8x128x1024xf32, #tpu.memory_space<hbm>> -> memref<1x8x1x1024xf32, #tpu.memory_space<hbm>>
    %dma_wait3A_307 = tpu.memref_squeeze %dma_wait3A_306 : memref<1x8x1x1024xf32, #tpu.memory_space<hbm>> -> memref<8x1024xf32, #tpu.memory_space<hbm>>
    %dma_wait3A_308 = arith.constant 0 : i32
    %dma_wait3A_309 = arith.constant 0 : i32
    %dma_wait3A_310 = tpu.memref_slice %arg4[%select_n3A_301, %dma_wait3A_308, %rem3A_303, %dma_wait3A_309] : memref<50x8x128x1024xf32, #tpu.memory_space<hbm>> -> memref<1x8x1x1024xf32, #tpu.memory_space<hbm>>
    %dma_wait3A_311 = tpu.memref_squeeze %dma_wait3A_310 : memref<1x8x1x1024xf32, #tpu.memory_space<hbm>> -> memref<8x1024xf32, #tpu.memory_space<hbm>>
    tpu.wait_dma2 semaphore(%arg27 : memref<!tpu.dma_semaphore, #tpu.memory_space<semaphore_mem>>) src(%arg15 : memref<8x1024xf32, #tpu.memory_space<vmem>>) dst(%dma_wait3A_311 : memref<8x1024xf32, #tpu.memory_space<hbm>>)
    %jit3A_312 = arith.constant 128 : i32
    %div3A_313 = arith.divsi %add3A_277, %jit3A_312 : i32
    %sign3A_314 = arith.constant 0 : i32
    %sign3A_315 = arith.cmpi sgt, %add3A_277, %sign3A_314 : i32
    %sign3A_316 = arith.extui %sign3A_315 : i1 to i32
    %sign3A_317 = arith.constant 0 : i32
    %sign3A_318 = arith.cmpi slt, %add3A_277, %sign3A_317 : i32
    %sign3A_319 = arith.extui %sign3A_318 : i1 to i32
    %sign3A_320 = arith.subi %sign3A_316, %sign3A_319 : i32
    %sign3A_321 = arith.constant 0 : i32
    %sign3A_322 = arith.cmpi sgt, %jit3A_312, %sign3A_321 : i32
    %sign3A_323 = arith.extui %sign3A_322 : i1 to i32
    %sign3A_324 = arith.constant 0 : i32
    %sign3A_325 = arith.cmpi slt, %jit3A_312, %sign3A_324 : i32
    %sign3A_326 = arith.extui %sign3A_325 : i1 to i32
    %sign3A_327 = arith.subi %sign3A_323, %sign3A_326 : i32
    %ne3A_328 = arith.cmpi ne, %sign3A_320, %sign3A_327 : i32
    %rem3A_329 = arith.remsi %add3A_277, %jit3A_312 : i32
    %ne3A_330 = arith.constant 0 : i32
    %ne3A_331 = arith.cmpi ne, %rem3A_329, %ne3A_330 : i32
    %and3A_332 = arith.andi %ne3A_328, %ne3A_331 : i1
    %sub3A_333 = arith.constant 1 : i32
    %sub3A_334 = arith.subi %div3A_313, %sub3A_333 : i32
    %select_n3A_335 = arith.select %and3A_332, %sub3A_334, %div3A_313 : i32
    %rem3A_336 = arith.constant 128 : i32
    %rem3A_337 = arith.remsi %add3A_277, %rem3A_336 : i32
    %mul3A_338 = arith.constant 128 : i32
    %mul3A_339 = arith.muli %rem3A_337, %mul3A_338 : i32
    %dma_wait3A_340 = tpu.memref_slice %arg2[%select_n3A_335, %mul3A_339] : memref<50x16384xi32, #tpu.memory_space<hbm>> -> memref<1x128xi32, #tpu.memory_space<hbm>>
    %dma_wait3A_341 = tpu.memref_squeeze %dma_wait3A_340 : memref<1x128xi32, #tpu.memory_space<hbm>> -> memref<128xi32, #tpu.memory_space<hbm>>
    %dma_wait3A_342 = tpu.memref_slice %arg2[%select_n3A_335, %mul3A_339] : memref<50x16384xi32, #tpu.memory_space<hbm>> -> memref<1x128xi32, #tpu.memory_space<hbm>>
    %dma_wait3A_343 = tpu.memref_squeeze %dma_wait3A_342 : memref<1x128xi32, #tpu.memory_space<hbm>> -> memref<128xi32, #tpu.memory_space<hbm>>
    tpu.wait_dma2 semaphore(%arg19 : memref<!tpu.dma_semaphore, #tpu.memory_space<semaphore_mem>>) src(%dma_wait3A_343 : memref<128xi32, #tpu.memory_space<hbm>>) dst(%arg7 : memref<128xi32, #tpu.memory_space<vmem>>)
    %add3A_344 = arith.constant 196 : i32
    %add3A_345 = arith.addi %mul3A_2, %add3A_344 : i32
    %add3A_346 = arith.constant 3 : i32
    %add3A_347 = arith.addi %add3A_345, %add3A_346 : i32
    %jit3A_348 = arith.constant 128 : i32
    %div3A_349 = arith.divsi %add3A_347, %jit3A_348 : i32
    %sign3A_350 = arith.constant 0 : i32
    %sign3A_351 = arith.cmpi sgt, %add3A_347, %sign3A_350 : i32
    %sign3A_352 = arith.extui %sign3A_351 : i1 to i32
    %sign3A_353 = arith.constant 0 : i32
    %sign3A_354 = arith.cmpi slt, %add3A_347, %sign3A_353 : i32
    %sign3A_355 = arith.extui %sign3A_354 : i1 to i32
    %sign3A_356 = arith.subi %sign3A_352, %sign3A_355 : i32
    %sign3A_357 = arith.constant 0 : i32
    %sign3A_358 = arith.cmpi sgt, %jit3A_348, %sign3A_357 : i32
    %sign3A_359 = arith.extui %sign3A_358 : i1 to i32
    %sign3A_360 = arith.constant 0 : i32
    %sign3A_361 = arith.cmpi slt, %jit3A_348, %sign3A_360 : i32
    %sign3A_362 = arith.extui %sign3A_361 : i1 to i32
    %sign3A_363 = arith.subi %sign3A_359, %sign3A_362 : i32
    %ne3A_364 = arith.cmpi ne, %sign3A_356, %sign3A_363 : i32
    %rem3A_365 = arith.remsi %add3A_347, %jit3A_348 : i32
    %ne3A_366 = arith.constant 0 : i32
    %ne3A_367 = arith.cmpi ne, %rem3A_365, %ne3A_366 : i32
    %and3A_368 = arith.andi %ne3A_364, %ne3A_367 : i1
    %sub3A_369 = arith.constant 1 : i32
    %sub3A_370 = arith.subi %div3A_349, %sub3A_369 : i32
    %select_n3A_371 = arith.select %and3A_368, %sub3A_370, %div3A_349 : i32
    %rem3A_372 = arith.constant 128 : i32
    %rem3A_373 = arith.remsi %add3A_347, %rem3A_372 : i32
    %dma_wait3A_374 = arith.constant 0 : i32
    %dma_wait3A_375 = arith.constant 0 : i32
    %dma_wait3A_376 = tpu.memref_slice %arg4[%select_n3A_371, %dma_wait3A_374, %rem3A_373, %dma_wait3A_375] : memref<50x8x128x1024xf32, #tpu.memory_space<hbm>> -> memref<1x8x1x1024xf32, #tpu.memory_space<hbm>>
    %dma_wait3A_377 = tpu.memref_squeeze %dma_wait3A_376 : memref<1x8x1x1024xf32, #tpu.memory_space<hbm>> -> memref<8x1024xf32, #tpu.memory_space<hbm>>
    %dma_wait3A_378 = arith.constant 0 : i32
    %dma_wait3A_379 = arith.constant 0 : i32
    %dma_wait3A_380 = tpu.memref_slice %arg4[%select_n3A_371, %dma_wait3A_378, %rem3A_373, %dma_wait3A_379] : memref<50x8x128x1024xf32, #tpu.memory_space<hbm>> -> memref<1x8x1x1024xf32, #tpu.memory_space<hbm>>
    %dma_wait3A_381 = tpu.memref_squeeze %dma_wait3A_380 : memref<1x8x1x1024xf32, #tpu.memory_space<hbm>> -> memref<8x1024xf32, #tpu.memory_space<hbm>>
    tpu.wait_dma2 semaphore(%arg28 : memref<!tpu.dma_semaphore, #tpu.memory_space<semaphore_mem>>) src(%arg16 : memref<8x1024xf32, #tpu.memory_space<vmem>>) dst(%dma_wait3A_381 : memref<8x1024xf32, #tpu.memory_space<hbm>>)
    %jit3A_382 = arith.constant 128 : i32
    %div3A_383 = arith.divsi %add3A_347, %jit3A_382 : i32
    %sign3A_384 = arith.constant 0 : i32
    %sign3A_385 = arith.cmpi sgt, %add3A_347, %sign3A_384 : i32
    %sign3A_386 = arith.extui %sign3A_385 : i1 to i32
    %sign3A_387 = arith.constant 0 : i32
    %sign3A_388 = arith.cmpi slt, %add3A_347, %sign3A_387 : i32
    %sign3A_389 = arith.extui %sign3A_388 : i1 to i32
    %sign3A_390 = arith.subi %sign3A_386, %sign3A_389 : i32
    %sign3A_391 = arith.constant 0 : i32
    %sign3A_392 = arith.cmpi sgt, %jit3A_382, %sign3A_391 : i32
    %sign3A_393 = arith.extui %sign3A_392 : i1 to i32
    %sign3A_394 = arith.constant 0 : i32
    %sign3A_395 = arith.cmpi slt, %jit3A_382, %sign3A_394 : i32
    %sign3A_396 = arith.extui %sign3A_395 : i1 to i32
    %sign3A_397 = arith.subi %sign3A_393, %sign3A_396 : i32
    %ne3A_398 = arith.cmpi ne, %sign3A_390, %sign3A_397 : i32
    %rem3A_399 = arith.remsi %add3A_347, %jit3A_382 : i32
    %ne3A_400 = arith.constant 0 : i32
    %ne3A_401 = arith.cmpi ne, %rem3A_399, %ne3A_400 : i32
    %and3A_402 = arith.andi %ne3A_398, %ne3A_401 : i1
    %sub3A_403 = arith.constant 1 : i32
    %sub3A_404 = arith.subi %div3A_383, %sub3A_403 : i32
    %select_n3A_405 = arith.select %and3A_402, %sub3A_404, %div3A_383 : i32
    %rem3A_406 = arith.constant 128 : i32
    %rem3A_407 = arith.remsi %add3A_347, %rem3A_406 : i32
    %mul3A_408 = arith.constant 128 : i32
    %mul3A_409 = arith.muli %rem3A_407, %mul3A_408 : i32
    %dma_wait3A_410 = tpu.memref_slice %arg2[%select_n3A_405, %mul3A_409] : memref<50x16384xi32, #tpu.memory_space<hbm>> -> memref<1x128xi32, #tpu.memory_space<hbm>>
    %dma_wait3A_411 = tpu.memref_squeeze %dma_wait3A_410 : memref<1x128xi32, #tpu.memory_space<hbm>> -> memref<128xi32, #tpu.memory_space<hbm>>
    %dma_wait3A_412 = tpu.memref_slice %arg2[%select_n3A_405, %mul3A_409] : memref<50x16384xi32, #tpu.memory_space<hbm>> -> memref<1x128xi32, #tpu.memory_space<hbm>>
    %dma_wait3A_413 = tpu.memref_squeeze %dma_wait3A_412 : memref<1x128xi32, #tpu.memory_space<hbm>> -> memref<128xi32, #tpu.memory_space<hbm>>
    tpu.wait_dma2 semaphore(%arg20 : memref<!tpu.dma_semaphore, #tpu.memory_space<semaphore_mem>>) src(%dma_wait3A_413 : memref<128xi32, #tpu.memory_space<hbm>>) dst(%arg8 : memref<128xi32, #tpu.memory_space<vmem>>)
    return
  }
}

</mosaic_0001>

<sc_bundles>
// kernel: kernel.3.cloned.1.call-start
scs
__scs_entry_jumppad:
0x0: {  	(pc) =	sbr.rel $0x88, $3  }
0x1: {  	(tag) =	ssettag $0x0;
	lr =	simm.s32 $0x1  }
0x2: {  	[smem:$0x3F9F] =	sst lr;
	_ =	strace $0xD0000000  }
0x3: {  	_ = 	snop  }
0x4: {  	_ = 	snop  }
0x5: {  	_ = 	snop  }
0x6: {  	_ = 	snop  }
0x7: {  	_ = 	snop  }
__scs_overlays_trampoline_lowered:
0x8: {  	[smem:$0x3FAE] =	sst s0  }
0x9: {  	[smem:$0x3FAF] =	sst s1  }
0xa: {  	[smem:$0x3FB0] =	sst s2  }
0xb: {  	[smem:$0x3FB1] =	sst s3  }
0xc: {  	[smem:$0x3FB2] =	sst s4  }
0xd: {  	[smem:$0x3FB3] =	sst s5  }
0xe: {  	[smem:$0x3FB4] =	sst s6  }
0xf: {  	[smem:$0x3FB5] =	sst s7  }
0x10: {  	[smem:$0x3FB6] =	sst s8  }
0x11: {  	[smem:$0x3FB7] =	sst s9;
	s0 =	simm.s32 @!p0 $0x0  }
0x12: {  	s1 =	sld [smem:$0x3F9D];
	s0 =	simm.s32 @p0 $0x1  }
0x13: {  	[smem:$0x3FB8] =	sst s0;
	s0 =	simm.s32 @!p1 $0x0  }
0x14: {  	s2 =	sld [smem:$0x3F9C];
	s0 =	simm.s32 @p1 $0x1  }
0x15: {  	[smem:$0x3FB9] =	sst s0;
	s0 =	simm.s32 @!p2 $0x0  }
0x16: {  	s3 =	sld [smem:$0x3FDB];
	s0 =	simm.s32 @p2 $0x1  }
0x17: {  	s4 =	simm.s32 $0x1BF5;
	[smem:$0x3FBB] =	sst s0  }
0x18: {  	s0 =	sld [smem:$0x3F9E];
	_ =	swait.ge [sflag:s4], $0x0  }
0x19: {  	s7 =	sld [smem:$0x3F9F]  }
0x1a: {  	s8 =	sadd.s32 $0xFFFFE003, lr  }
0x1b: {  	s9 =	sadd.s32 $0xFFFFFEF7, lr;
	s5 =	simm.s32 $0xFFFFFFFF;
	p2 =	slt.u32 s8, $0xFFFFF086  }
0x1c: {  	p1 =	slt.u32 s9, $0xF7A;
	s5 =	simm.s32 @!p2 $0x0  }
0x1d: {  	s5 =	simm.s32 @p1 $0x1;
	p0 =	seq.s32 s7, s2  }
0x1e: {  	s7 =	smul.u32 @!p0 $0xF7A, s2;
	p2 =	seq.s32 @!p0 s5, $0x0  }
0x1f: {  	s9 =	smul.u32 $0xF7A, s1;
	s8 =	simm.s32 @!p0 $0x1BF5;
	p2 =	por !p2, p0  }
0x20: {  	[sflag:s8] =	ssyncset.s32 @!p0 $0xFFFFF086;
	s6 =	sadd.s32 @!p0 s3, s7;
	s7 =	simm.s32 @!p0 $0x108  }
0x21: {  	s3 =	sadd.s32 s3, s9;
	s6 =	sadd.s32 @!p0 $0x88, s6;
	s7 =	simm.s32 @p2 $0x1082  }
0x22: {  	[simem:s7], [sflag:s8] =	dma.local @!p0 [hbm:s6], $0xF7A  }
0x23: {  	s9 =	sor.u32 $0xD0000000, s2;
	s6 =	simm.s32 $0x108;
	_ =	swait.ge @!p0 [sflag:s8], $0x0  }
0x24: {  	s3 =	sadd.s32 $0x88, s3;
	s6 =	simm.s32 @!p1 $0x1082;
	[sflag:s4] =	ssyncset.s32 $0xFFFFF086  }
0x25: {  	[simem:s6], [sflag:s4] =	dma.local [hbm:s3], $0xF7A  }
0x26: {  	[smem:$0x3F9F] =	sst s1;
	(tag) =	ssettag s2;
	_ =	strace s9  }
0x27: {  	s1 =	sld [smem:$0x3FAF]  }
0x28: {  	s2 =	sld [smem:$0x3FB0]  }
0x29: {  	s4 =	sld [smem:$0x3FB2]  }
0x2a: {  	p0 =	seq.s32 s5, $0x0;
	s5 =	sld [smem:$0x3FB3]  }
0x2b: {  	s6 =	sld [smem:$0x3FB4]  }
0x2c: {  	s7 =	sld [smem:$0x3FB5]  }
0x2d: {  	s3 =	simm.s32 $0x108;
	s8 =	sld [smem:$0x3FB6]  }
0x2e: {  	s3 =	simm.s32 @!p0 $0x1082;
	s9 =	sld [smem:$0x3FB7]  }
0x2f: {  	lr =	sadd.s32 s0, s3;
	s0 =	sld [smem:$0x3FAE]  }
0x30: {  	s3 =	sld [smem:$0x3FB1]  }
0x31: {  	[smem:$0x3FBA] =	sst s10  }
0x32: {  	s10 =	sld [smem:$0x3FB8];
	_ =	sdelay $0x3  }
0x33: {  	p0 =	seq.s32 s10, $0x1;
	s10 =	sld [smem:$0x3FBA];
	_ =	sdelay $0x3  }
0x34: {  	[smem:$0x3FBA] =	sst s10  }
0x35: {  	s10 =	sld [smem:$0x3FB9];
	_ =	sdelay $0x3  }
0x36: {  	p1 =	seq.s32 s10, $0x1;
	s10 =	sld [smem:$0x3FBA];
	_ =	sdelay $0x3  }
0x37: {  	[smem:$0x3FBA] =	sst s10  }
0x38: {  	s10 =	sld [smem:$0x3FBB]  }
0x39: {  	_ = 	snop;
	(pc) =	sbr.ind lr, $3  }
0x3a: {  	_ = 	snop  }
0x3b: {  	_ = 	snop  }
0x3c: {  	p2 =	seq.s32 s10, $0x1;
	s10 =	sld [smem:$0x3FBA]  }
0x3d: {  	_ =	shalt  }
0x3e: {  	_ =	shalt  }
0x3f: {  	_ =	shalt  }
0x40: {  	_ =	shalt  }
0x41: {  	_ =	shalt  }
0x42: {  	_ =	shalt  }
0x43: {  	_ =	shalt  }
0x44: {  	_ =	shalt  }
0x45: {  	_ =	shalt  }
0x46: {  	_ =	shalt  }
0x47: {  	_ =	shalt  }
0x48: {  	_ =	shalt  }
0x49: {  	_ =	shalt  }
0x4a: {  	_ =	shalt  }
0x4b: {  	_ =	shalt  }
0x4c: {  	_ =	shalt  }
0x4d: {  	_ =	shalt  }
0x4e: {  	_ =	shalt  }
0x4f: {  	_ =	shalt  }
0x50: {  	_ =	shalt  }
0x51: {  	_ =	shalt  }
0x52: {  	_ =	shalt  }
0x53: {  	_ =	shalt  }
0x54: {  	_ =	shalt  }
0x55: {  	_ =	shalt  }
0x56: {  	_ =	shalt  }
0x57: {  	_ =	shalt  }
0x58: {  	_ =	shalt  }
0x59: {  	_ =	shalt  }
0x5a: {  	_ =	shalt  }
0x5b: {  	_ =	shalt  }
0x5c: {  	_ =	shalt  }
0x5d: {  	_ =	shalt  }
0x5e: {  	_ =	shalt  }
0x5f: {  	_ =	shalt  }
0x60: {  	_ =	shalt  }
0x61: {  	_ =	shalt  }
0x62: {  	_ =	shalt  }
0x63: {  	_ =	shalt  }
0x64: {  	_ =	shalt  }
0x65: {  	_ =	shalt  }
0x66: {  	_ =	shalt  }
0x67: {  	_ =	shalt  }
0x68: {  	_ =	shalt  }
0x69: {  	_ =	shalt  }
0x6a: {  	_ =	shalt  }
0x6b: {  	_ =	shalt  }
0x6c: {  	_ =	shalt  }
0x6d: {  	_ =	shalt  }
0x6e: {  	_ =	shalt  }
0x6f: {  	_ =	shalt  }
0x70: {  	_ =	shalt  }
0x71: {  	_ =	shalt  }
0x72: {  	_ =	shalt  }
0x73: {  	_ =	shalt  }
0x74: {  	_ =	shalt  }
0x75: {  	_ =	shalt  }
0x76: {  	_ =	shalt  }
0x77: {  	_ =	shalt  }
0x78: {  	_ =	shalt  }
0x79: {  	_ =	shalt  }
0x7a: {  	_ =	shalt  }
0x7b: {  	_ =	shalt  }
0x7c: {  	_ =	shalt  }
0x7d: {  	_ =	shalt  }
0x7e: {  	_ =	shalt  }
0x7f: {  	_ =	shalt  }
0x80: {  	_ =	shalt  }
0x81: {  	_ =	shalt  }
0x82: {  	_ =	shalt  }
0x83: {  	_ =	shalt  }
0x84: {  	_ =	shalt  }
0x85: {  	_ =	shalt  }
0x86: {  	_ =	shalt  }
0x87: {  	_ =	shalt  }
.Lfunc_end0:
.L_simem_size_0:
called_computation_lowered:
.L_overlay_start_0:
0x88: {  	s2 =	sld [smem:$0x3FD9]  }
0x89: {  	s3 =	sld [smem:$0x3FFE];
	_ =	sdelay $0x1  }
0x8a: {  	s1 =	srdreg.scid  }
0x8b: {  	s0 =	sand.u32 $0x1, s1  }
0x8c: {  	s17 =	sshll.u32 s0, $0xA;
	s2 =	sadd.s32 s3, s2  }
0x8d: {  	s2 =	sadd.s32 s2, s17  }
0x8e: {  	[smem:$0x3FC6] =	sst s2  }
0x8f: {  	_ = 	snop  }
0x90: {  	s2 =	sld [smem:$0x3FD0];
	(tm) =	ssettm $0x1  }
0x91: {  	s18 =	sld [smem:$0x3FFB];
	_ =	sdelay $0x3  }
0x92: {  	_ =	strace s18  }
0x93: {  	s3 =	sld [smem:$0x3FFC];
	_ =	sdelay $0x3  }
0x94: {  	_ =	strace s3  }
0x95: {  	s3 =	sld [smem:$0x3FFD];
	_ =	sdelay $0x3  }
0x96: {  	_ =	strace s3  }
0x97: {  	_ =	strace $0x8FFFFFFF  }
0x98: {  	s19 =	sld [smem:$0x3FDB];
	_ =	sdelay $0x1  }
0x99: {  	s4 =	simm.s32 $_scs_section_size  }
0x9a: {  	s5 =	simm.s32 $_size__tile_overlayer_lowered;
	s6 =	simm.s32 $_tile_overlayer_lowered  }
0x9b: {  	s22 =	simm.s32 $0x1BFF;
	s21 =	sshll.u32 s6, $0x1;
	s3 =	sadd.s32 s4, s19  }
0x9c: {  	s7 =	simm.s32 $0x0;
	s20 =	sshll.u32 s5, $0x1;
	s5 =	sadd.s32 s21, s3  }
0x9d: {  	[timem:s7], [sflag:s22] =	dma.local [hbm:s5], s20  }
0x9e: {  	_ =	swait.ge [sflag:s22], s20  }
0x9f: {  	s4 =	ssub.s32 $0x0, s20;
	[sflag:s22] =	ssyncset.done $0x0  }
0xa0: {  	[sflag:s22] =	ssyncadd.s32 s4;
	_ =	sdelay $0x1  }
0xa1: {  	s23 =	simm.s32 $0x1B8B  }
0xa2: {  	_ =	swait.ge [sflag:s23], $0x1  }
0xa3: {  	[sflag:s23] =	ssyncset.done $0x0  }
0xa4: {  	s25 =	simm.s32 $0x1B8E;
	s24 =	sld [smem:$0x3FFE];
	[sflag:s23] =	ssyncadd.s32 $0xFFFFFFFF  }
0xa5: {  	s26 =	simm.s32 $execute0_lowered;
	[smem:$0x3FD2] =	sst s25  }
0xa6: {  	s5 =	sshll.u32 s26, $0x1;
	_ =	strace $0x80000046;
	[dreg:$0x1] =	wrdreg $0xFFFFFFFF  }
0xa7: {  	s28 =	simm.s32 $_size_execute0_lowered;
	s3 =	sadd.s32 s3, s5;
	[dreg:$0x0] =	wrdreg $0x0  }
0xa8: {  	s5 =	sshll.u32 s28, $0x1;
	[dreg:$0x2] =	wrdreg s3  }
0xa9: {  	[dreg:$0x3] =	wrdreg s5  }
0xaa: {  	[dreg:$0x4] =	wrdreg $0xC0  }
0xab: {  	_ =	task [dreg:s7], $0x5FFFF  }
0xac: {  	[dreg:$0x1] =	wrdreg $0xFFFFFFFF  }
0xad: {  	[dreg:$0x0] =	wrdreg $0x60  }
0xae: {  	[dreg:$0x2] =	wrdreg s24  }
0xaf: {  	[dreg:$0x3] =	wrdreg s2  }
0xb0: {  	[dreg:$0x4] =	wrdreg $0x9  }
0xb1: {  	_ =	task.clear_ibuf [dreg:s7], $0x5FFFF;
	_ =	strace $0x90000046  }
0xb2: {  	s29 =	simm.s32 $0x9;
	_ =	strace $0x80000048  }
0xb3: {  	_ =	swait.ge [sflag:s29], $0x1  }
0xb4: {  	[sflag:s29] =	ssyncadd.s32 $0xFFFFFFFF  }
0xb5: {  	_ =	strace $0x90000048  }
0xb6: {  	_ =	sfence  }
0xb7: {  	s30 =	sld [smem:$0x0];
	_ =	sdelay $0x2  }
0xb8: {  	s31 =	sshll.u32 s1, $0xD;
	s1 =	sshrl.u32 s1, $0x2  }
0xb9: {  	s3 =	sand.u32 $0x4000, s31;
	s1 =	sadd.s32 s1, s30  }
0xba: {  	s0 =	sor.u32 s3, s0;
	s1 =	sshll.u32 s1, $0x11  }
0xbb: {  	s0 =	sor.u32 s1, s0  }
0xbc: {  	s0 =	sadd.s32 $0x8F2B, s0  }
0xbd: {  	[sflag:s0] =	ssyncadd.remote.s32 $0x1  }
0xbe: {  	_ =	sfence.sel $0xFFFF  }
0xbf: {  	[dreg:$0x0] =	wrdreg $0xFFFFFFFF;
	(pc) =	sbr.abs _section_cstart, $3  }
0xc0: {  	[dreg:$0x1] =	wrdreg $0xFFFFFFFF  }
0xc1: {  	_ =	task.clear_ibuf [dreg:s7], $0x2FFFF;
	_ =	strace $0x9FFFFFFF  }
0xc2: {  	(tm) =	ssettm $0x7FFFFFFF  }
0xc3: {  	_ =	shalt  }
tec
execute0_lowered:
.L_overlay_start_1:
0x0: {  	(tag) =	ssettag $0x1  }
0x1: {  	s0 =	srdreg.scid;
	s2 =	rddreg [dreg:$0x0]  }
0x2: {  	s1 =	stileid.u32;
	s26 =	rddreg [dreg:$0x1];
	s3 =	simm.s32 $0x0  }
0x3: {  	s15 =	simm.s32 $0x80;
	s31 =	simm.s32 $0x100;
	s28 =	simm.s32 $0x400  }
0x4: {  	s29 =	simm.s32 $0x20000;
	s0 =	sand.u32 $0x1, s0;
	s1 =	sshll.u32 s1, $0x1  }
0x5: {  	[smem:$0x7FF] =	sst s3;
	s23 =	sadd.s32 $0x640, s2;
	s24 =	sadd.s32 $0x650, s2  }
0x6: {  	s1 =	sor.u32 s0, s1;
	_ =	strace $0x80000047;
	[dreg:$0x8] =	wrdreg s23  }
0x7: {  	s25 =	sadd.s32 $0x660, s2;
	[dreg:$0x9] =	wrdreg s24;
	s4 =	smul.u32 $0x6400, s1  }
0x8: {  	s30 =	sadd.s32 $0x670, s2;
	[dreg:$0xa] =	wrdreg s25;
	s5 =	smul.u32 $0x2400, s1  }
0x9: {  	s7 =	simm.s32 $0x8;
	s0 =	ssub.s32 $0x2, s0;
	[dreg:$0xb] =	wrdreg s30  }
0xa: {  	s23 =	simm.s32 $0x4200;
	s4 =	sand.u32 $0xFC000, s4;
	s5 =	sand.u32 $0x3C00, s5  }
0xb: {  	s18 =	sshrl.u32 s0, $0x1;
	s1 =	smul.u32 $0xC8, s1;
	s4 =	sor.u32 s5, s4  }
0xc: {  	s24 =	simm.s32 $0x4;
	s0 =	ssub.s32 s0, s18;
	s4 =	sshrl.u32 s4, $0x3  }
0xd: {  	[dreg:$0x3] =	wrdreg s1;
	s0 =	smax.u32 s0, $0x1;
	s6 =	sadd.s32 s4, s2  }
0xe: {  	s25 =	simm.s32 $0x6200;
	[dreg:$0xc] =	wrdreg s0;
	s19 =	sadd.s32 $0x600, s6  }
0xf: {  	s18 =	simm.s32 $0x1;
	s20 =	sadd.s32 $0x610, s6;
	[dreg:$0x4] =	wrdreg s19  }
0x10: {  	s0 =	simm.s32 $0x7;
	s21 =	sadd.s32 $0x620, s6;
	[dreg:$0x5] =	wrdreg s20  }
0x11: {  	s4 =	sadd.s32 $0xF42A00, s2;
	s22 =	sadd.s32 $0x630, s6;
	[dreg:$0x6] =	wrdreg s21  }
0x12: {  	v0 =	vlaneseq.u32;
	v1 =	vimm.s32 $0x0;
	vm0 =	vcmask $0x300;
	s2 =	simm.s32 $0x0;
	[dreg:$0x7] =	wrdreg s22;
	s19 =	simm.s32 $0x200  }
0x13: {  	v0 =	vmul.u32 $0x40, v0;
	v1 =	vsel vm0, $0x3, v1;
	s20 =	simm.s32 $0x2;
	s21 =	simm.s32 $0x2200;
	s22 =	simm.s32 $0x3  }
.LBB2_1:
0x14: {  	[dreg:$0xd] =	wrdreg s2  }
0x15: {  	s1 =	rddreg [dreg:$0x4]  }
0x16: {  	[tilespmem:s3], [sflag:$0x1] =	stream.linear.gather [hbm4b:s1+s3], $0x80, $0x38;
	[tilespmem:$0x10200] =	vst v63  }
0x17: {  	s14 =	rddreg [dreg:$0x5]  }
0x18: {  	[tilespmem:s15], [sflag:$0x2] =	stream.linear.gather [hbm4b:s14+s3], $0x80, $0x38;
	[tilespmem:$0x10200] =	vst v63  }
0x19: {  	s16 =	rddreg [dreg:$0x6]  }
0x1a: {  	[tilespmem:s31], [sflag:$0x3] =	stream.linear.gather [hbm4b:s16+s3], $0x80, $0x38;
	[tilespmem:$0x10200] =	vst v63  }
0x1b: {  	s17 =	rddreg [dreg:$0x7];
	s30 =	simm.s32 $0x180;
	s14 =	simm.s32 $0x0  }
0x1c: {  	[tilespmem:s30], [sflag:$0x4] =	stream.linear.gather [hbm4b:s17+s3], $0x80, $0x38;
	[tilespmem:$0x10200] =	vst v63  }
.LBB2_2:
0x1d: {  	_ =	swait.ge [sflag:s18], $0x80  }
0x1e: {  	[sflag:s18] =	ssyncset.done $0x0  }
0x1f: {  	[sflag:s18] =	ssyncadd.s32 $0xFFFFFF80  }
0x20: {  	[tilespmem:s19], [sflag:$0x5] =	stream.indirect.gather [hbm4b:s4+s15], $0x40, s3, s15, $0xb8;
	[tilespmem:$0x10200] =	vst v63  }
0x21: {  	_ =	swait.ge [sflag:s20], $0x80  }
0x22: {  	[sflag:s20] =	ssyncset.done $0x0  }
0x23: {  	[sflag:s20] =	ssyncadd.s32 $0xFFFFFF80  }
0x24: {  	[tilespmem:s21], [sflag:$0x6] =	stream.indirect.gather [hbm4b:s4+s15], $0x40, s15, s15, $0xb8;
	[tilespmem:$0x10200] =	vst v63  }
0x25: {  	_ =	swait.ge [sflag:s22], $0x80  }
0x26: {  	s1 =	simm.s32 $0x0;
	s10 =	simm.s32 $0x180;
	[sflag:s22] =	ssyncset.done $0x0  }
0x27: {  	s2 =	sshll.u32 s14, $0x2;
	s5 =	sand.u32 $0x38, s1;
	[sflag:s22] =	ssyncadd.s32 $0xFFFFFF80  }
0x28: {  	v2 =	vmov s5;
	[tilespmem:s23], [sflag:$0x7] =	stream.indirect.gather [hbm4b:s4+s15], $0x40, s31, s15, $0xb8;
	[tilespmem:$0x10200] =	vst v63  }
0x29: {  	s11 =	simm.s32 $0x0;
	s13 =	simm.s32 $0x5;
	v2 =	vshrl.u32 v2, $0x3;
	_ =	swait.ge [sflag:s24], $0x80  }
0x2a: {  	s8 =	sand.u32 $0x70, s11;
	v2 =	vshll.u32 v2, v1;
	[sflag:s24] =	ssyncset.done $0x0;
	s6 =	rddreg [dreg:$0x3]  }
0x2b: {  	s17 =	simm.s32 $0x8;
	v3 =	vmov s8;
	v4 =	vor.u32 $0x1, v2;
	v5 =	vor.u32 $0x7, v2;
	[sflag:s24] =	ssyncadd.s32 $0xFFFFFF80;
	s9 =	sadd.s32 s6, s2  }
0x2c: {  	v6 =	vor.u32 $0x2, v2;
	v7 =	vor.u32 $0x3, v2;
	v8 =	vor.u32 $0x4, v2;
	[tilespmem:s25], [sflag:$0x8] =	stream.indirect.gather [hbm4b:s4+s15], $0x40, s10, s15, $0xb8;
	[tilespmem:$0x10200] =	vst v63  }
0x2d: {  	p0 =	seq.s32 s14, $0x0;
	v9 =	vor.u32 $0x5, v2;
	v10 =	vor.u32 $0x6, v2;
	v2 =	vbroadcast v2, $0x0;
	s2 =	smin.u32 s9, $0x18FB;
	_ =	swait.ge [sflag:s13], $0x2000  }
0x2e: {  	v3 =	vshll.u32 v3, $0x6;
	v5 =	vbroadcast v5, $0x0;
	v4 =	vbroadcast v4, $0x0;
	s2 =	sshll.u32 s2, $0x4;
	[sflag:s13] =	ssyncset.done $0x0;
	s16 =	rddreg [dreg:$0x8]  }
0x2f: {  	v3 =	vor.u32 v0, v3;
	v6 =	vbroadcast v6, $0x0;
	v7 =	vbroadcast v7, $0x0;
	s10 =	sand.u32 $0x38, s17;
	[sflag:s13] =	ssyncadd.s32 $0xFFFFE000;
	s2 =	sadd.s32 s2, s16  }
0x30: {  	v8 =	vbroadcast v8, $0x0;
	v9 =	vbroadcast v9, $0x0;
	v5 =	vor.u32 v3, v5;
	[tilespmem:s3], [sflag:$0x1] =	stream.linear.gather [hbm4b:s2+s3], $0x80, $0x38;
	[tilespmem:$0x10200] =	vst v63  }
0x31: {  	v10 =	vbroadcast v10, $0x0;
	v4 =	vor.u32 v3, v4;
	v11 =	vmov s10;
	s2 =	simm.s32 @!p0 $0x9  }
0x32: {  	v2 =	vor.u32 v2, v3;
	v6 =	vor.u32 v3, v6;
	s31 =	simm.s32 $0x2;
	v11 =	vshrl.u32 v11, $0x3;
	_ =	swait.ge @!p0 [sflag:s2], $0x2000  }
0x33: {  	v7 =	vor.u32 v3, v7;
	v8 =	vor.u32 v3, v8;
	s12 =	sand.u32 $0x70, s31;
	v11 =	vshll.u32 v11, v1;
	[sflag:s2] =	ssyncset.done @!p0 $0x0  }
0x34: {  	v9 =	vor.u32 v3, v9;
	v12 =	vmov s12;
	v13 =	vor.u32 $0x7, v11;
	[sflag:s2] =	ssyncadd.s32 @!p0 $0xFFFFE000  }
0x35: {  	v10 =	vor.u32 v3, v10;
	v12 =	vshll.u32 v12, $0x6;
	v13 =	vbroadcast v13, $0x0;
	v5 =	vld.idx.msk [tilespmem:v5+s19+$0x0], $0xffff  }
0x36: {  	v12 =	vor.u32 v0, v12;
	v14 =	vor.u32 $0x1, v11;
	v15 =	vor.u32 $0x2, v11;
	v4 =	vld.idx.msk [tilespmem:v4+s19+$0x0], $0xffff  }
0x37: {  	v16 =	vor.u32 $0x3, v11;
	v17 =	vor.u32 $0x4, v11;
	v13 =	vor.u32 v12, v13;
	v6 =	vld.idx.msk [tilespmem:v6+s19+$0x0], $0xffff  }
0x38: {  	v18 =	vor.u32 $0x5, v11;
	v14 =	vbroadcast v14, $0x0;
	v15 =	vbroadcast v15, $0x0;
	v7 =	vld.idx.msk [tilespmem:v7+s19+$0x0], $0xffff  }
0x39: {  	s1 =	sand.u32 $0x1C00, s11;
	s6 =	simm.s32 $0x10;
	v19 =	vor.u32 $0x6, v11;
	v3 =	vbroadcast v16, $0x0;
	v16 =	vbroadcast v17, $0x0;
	v8 =	vld.idx.msk [tilespmem:v8+s19+$0x0], $0xffff  }
0x3a: {  	s11 =	sor.u32 s8, s1;
	s13 =	sand.u32 $0x38, s6;
	v17 =	vld.idx.msk [tilespmem:v9+s19+$0x0], $0xffff;
	v9 =	vor.u32 v12, v14;
	v14 =	vbroadcast v18, $0x0;
	v18 =	vbroadcast v19, $0x0  }
0x3b: {  	s2 =	simm.s32 $0x4;
	v10 =	vld.idx.msk [tilespmem:v10+s19+$0x0], $0xffff;
	v19 =	vbroadcast v11, $0x0;
	v11 =	vor.u32 v12, v15;
	[tilespmem:s11+$0x8580] =	vst v5;
	v5 =	vmov s13  }
0x3c: {  	v20 =	vor.u32 v12, v3;
	v21 =	vor.u32 v12, v16;
	s1 =	sand.u32 $0x70, s2;
	v22 =	vld.idx.msk [tilespmem:v13+s19+$0x0], $0xffff;
	[tilespmem:s11+$0x8280] =	vst v4;
	v4 =	vshrl.u32 v5, $0x3  }
0x3d: {  	[tilespmem:s11+$0x8300] =	vst v6;
	v6 =	vld.idx.msk [tilespmem:v2+s19+$0x0], $0xffff;
	v2 =	vmov s1;
	v5 =	vor.u32 v12, v14;
	v3 =	vshll.u32 v4, v1  }
0x3e: {  	[tilespmem:s11+$0x8380] =	vst v7;
	v2 =	vshll.u32 v2, $0x6;
	v4 =	vor.u32 v12, v18;
	v13 =	vor.u32 $0x7, v3  }
0x3f: {  	s30 =	simm.s32 $0x400;
	v7 =	vld.idx.msk [tilespmem:v9+s19+$0x0], $0xffff;
	[tilespmem:s11+$0x8400] =	vst v8;
	v2 =	vor.u32 v0, v2;
	v12 =	vor.u32 v19, v12;
	v24 =	vbroadcast v13, $0x0  }
0x40: {  	s5 =	sshll.u32 s5, $0x7;
	s16 =	sand.u32 $0x1C00, s30;
	v9 =	vld.idx.msk [tilespmem:v11+s19+$0x0], $0xffff;
	[tilespmem:s11+$0x8480] =	vst v17;
	v18 =	vor.u32 $0x1, v3;
	v23 =	vor.u32 $0x2, v3;
	v16 =	vor.u32 $0x3, v3  }
0x41: {  	s17 =	sshll.u32 s10, $0x7;
	s10 =	sor.u32 s12, s16;
	[tilespmem:s11+$0x8500] =	vst v10;
	s13 =	sshll.u32 s13, $0x7;
	v8 =	vld.idx.msk [tilespmem:v20+s19+$0x0], $0xffff;
	v15 =	vor.u32 $0x4, v3;
	v14 =	vor.u32 $0x5, v3;
	v11 =	vor.u32 v2, v24  }
0x42: {  	s11 =	sor.u32 s8, s5;
	s5 =	sor.u32 s12, s17;
	v10 =	vld.idx.msk [tilespmem:v21+s19+$0x0], $0xffff;
	s8 =	sor.u32 s1, s13;
	v13 =	vor.u32 $0x6, v3;
	v18 =	vbroadcast v18, $0x0;
	v17 =	vbroadcast v23, $0x0;
	[tilespmem:s10+$0x8580] =	vst v22  }
.LBB2_3:
0x43: {  	s6 =	sadd.s32 $0x8, s6;
	v16 =	vbroadcast v16, $0x0;
	v15 =	vbroadcast v15, $0x0;
	v19 =	vld.idx.msk [tilespmem:v5+s19+$0x0], $0xffff;
	[tilespmem:s11+$0x8200] =	vst v6;
	s11 =	smov.u32 s5;
	s5 =	smov.u32 s8  }
0x44: {  	v5 =	vbroadcast v14, $0x0;
	v6 =	vbroadcast v13, $0x0;
	s8 =	sand.u32 $0x38, s6;
	p1 =	slt.u32 s6, $0x1F8;
	v18 =	vor.u32 v2, v18;
	v20 =	vld.idx.msk [tilespmem:v4+s19+$0x0], $0xffff  }
0x45: {  	v21 =	vbroadcast v3, $0x0;
	v13 =	vor.u32 v2, v17;
	v4 =	vmov s8;
	s8 =	sshll.u32 s8, $0x7;
	[tilespmem:s10+$0x8280] =	vst v7  }
0x46: {  	s2 =	sadd.s32 $0x2, s2;
	v17 =	vor.u32 v2, v16;
	v22 =	vor.u32 v2, v15;
	v3 =	vshrl.u32 v4, $0x3;
	v23 =	vld.idx.msk [tilespmem:v11+s19+$0x0], $0xffff;
	[tilespmem:s10+$0x8300] =	vst v9  }
0x47: {  	s12 =	sand.u32 $0x70, s2;
	v5 =	vor.u32 v2, v5;
	v4 =	vor.u32 v2, v6;
	v3 =	vshll.u32 v3, v1;
	v6 =	vld.idx.msk [tilespmem:v12+s19+$0x0], $0xffff  }
.Ltmp0:
0x48: {  	v7 =	vmov s12;
	s8 =	sor.u32 s12, s8;
	v12 =	vor.u32 $0x1, v3;
	v9 =	vor.u32 $0x7, v3;
	[tilespmem:s10+$0x8380] =	vst v8;
	(pc) =	sbr.rel @p1 .LBB2_3-.Ltmp0, $4  }
0x49: {  	s30 =	sadd.s32 $0x400, s30;
	v8 =	vshll.u32 v7, $0x6;
	v24 =	vor.u32 $0x2, v3;
	v11 =	vbroadcast v9, $0x0;
	v7 =	vld.idx.msk [tilespmem:v18+s19+$0x0], $0xffff;
	[tilespmem:s10+$0x8400] =	vst v10  }
0x4a: {  	s13 =	sand.u32 $0x1C00, s30;
	v16 =	vor.u32 $0x3, v3;
	v15 =	vor.u32 $0x4, v3;
	v25 =	vor.u32 v0, v8;
	v9 =	vld.idx.msk [tilespmem:v13+s19+$0x0], $0xffff;
	[tilespmem:s10+$0x8480] =	vst v19  }
0x4b: {  	v14 =	vor.u32 $0x5, v3;
	v13 =	vor.u32 $0x6, v3;
	v11 =	vor.u32 v25, v11;
	v8 =	vld.idx.msk [tilespmem:v17+s19+$0x0], $0xffff;
	[tilespmem:s10+$0x8500] =	vst v20;
	s10 =	sor.u32 s1, s13;
	s1 =	smov.u32 s12  }
0x4c: {  	v18 =	vbroadcast v12, $0x0;
	v12 =	vor.u32 v21, v2;
	v2 =	vmovc v25;
	v17 =	vbroadcast v24, $0x0;
	v10 =	vld.idx.msk [tilespmem:v22+s19+$0x0], $0xffff;
	[tilespmem:s10+$0x8580] =	vst v23  }
0x4d: {  	_ =	sdelay $0x2  }
0x4e: {  	v16 =	vbroadcast v16, $0x0;
	v18 =	vor.u32 v2, v18  }
0x4f: {  	v15 =	vbroadcast v15, $0x0;
	v5 =	vld.idx.msk [tilespmem:v5+s19+$0x0], $0xffff;
	[tilespmem:s11+$0x8200] =	vst v6;
	v6 =	vor.u32 v2, v17  }
0x50: {  	v14 =	vbroadcast v14, $0x0;
	v4 =	vld.idx.msk [tilespmem:v4+s19+$0x0], $0xffff;
	[tilespmem:s10+$0x8280] =	vst v7;
	v7 =	vor.u32 v2, v16  }
0x51: {  	v13 =	vbroadcast v13, $0x0;
	v11 =	vld.idx.msk [tilespmem:v11+s19+$0x0], $0xffff;
	v3 =	vbroadcast v3, $0x0;
	v15 =	vor.u32 v2, v15;
	[tilespmem:s10+$0x8300] =	vst v9  }
0x52: {  	v12 =	vld.idx.msk [tilespmem:v12+s19+$0x0], $0xffff;
	v9 =	vor.u32 v2, v14;
	[tilespmem:s10+$0x8380] =	vst v8  }
0x53: {  	s2 =	sadd.s32 $0x400, s30;
	v8 =	vor.u32 v2, v13;
	v2 =	vor.u32 v3, v2;
	[tilespmem:s10+$0x8400] =	vst v10;
	v13 =	vld.idx.msk [tilespmem:v18+s19+$0x0], $0xffff  }
0x54: {  	s2 =	sand.u32 $0x1C00, s2;
	[tilespmem:s10+$0x8480] =	vst v5;
	v6 =	vld.idx.msk [tilespmem:v6+s19+$0x0], $0xffff  }
0x55: {  	s1 =	sor.u32 s1, s2;
	[tilespmem:s10+$0x8500] =	vst v4;
	v3 =	vld.idx.msk [tilespmem:v7+s19+$0x0], $0xffff  }
0x56: {  	[tilespmem:s1+$0x8580] =	vst v11;
	v4 =	vld.idx.msk [tilespmem:v15+s19+$0x0], $0xffff  }
0x57: {  	[tilespmem:s5+$0x8200] =	vst v12;
	v5 =	vld.idx.msk [tilespmem:v9+s19+$0x0], $0xffff  }
0x58: {  	v2 =	vld.idx.msk [tilespmem:v2+s19+$0x0], $0xffff;
	[tilespmem:s1+$0x8280] =	vst v13  }
0x59: {  	v7 =	vld.idx.msk [tilespmem:v8+s19+$0x0], $0xffff;
	[tilespmem:s1+$0x8300] =	vst v6  }
0x5a: {  	[tilespmem:s1+$0x8380] =	vst v3  }
0x5b: {  	s6 =	simm.s32 $0x0;
	s10 =	simm.s32 $0x0;
	[tilespmem:s1+$0x8400] =	vst v4  }
0x5c: {  	s16 =	sshll.u32 s9, $0x7;
	s11 =	sand.u32 $0x38, s6;
	s5 =	sand.u32 $0x70, s10;
	[tilespmem:s1+$0x8480] =	vst v5  }
0x5d: {  	s17 =	sshll.u32 s9, $0xA;
	s13 =	simm.s32 $0x6;
	s30 =	sand.u32 $0x3E00, s16;
	v3 =	vmov s5;
	[tilespmem:s8+$0x8200] =	vst v2;
	v2 =	vmov s11  }
0x5e: {  	s2 =	sadd.s32 s26, s30;
	[tilespmem:s1+$0x8500] =	vst v7;
	s1 =	sand.u32 $0xFFE0000, s17;
	v3 =	vshll.u32 v3, $0x6;
	s17 =	simm.s32 $0x8;
	v2 =	vshrl.u32 v2, $0x3  }
0x5f: {  	s8 =	simm.s32 $0x8200;
	s2 =	sadd.s32 s1, s2;
	v3 =	vor.u32 v0, v3;
	s12 =	sand.u32 $0x38, s17;
	v2 =	vshll.u32 v2, v1  }
0x60: {  	[hbm4b:s2+s28] =	stream.strided.scatter [tilespmem:s8], [sflag:$0x9], $0x2000, s29, s28, $0x38;
	v11 =	vmov s12;
	v4 =	vor.u32 $0x1, v2;
	v5 =	vor.u32 $0x7, v2;
	[tilespmem:$0x10200] =	vst v63  }
0x61: {  	s6 =	smin.u32 s9, $0x18FA;
	_ =	swait.ge [sflag:s13], $0x2000;
	v6 =	vor.u32 $0x2, v2;
	v7 =	vor.u32 $0x3, v2;
	v8 =	vor.u32 $0x4, v2  }
0x62: {  	s6 =	sshll.u32 s6, $0x4;
	v9 =	vor.u32 $0x5, v2;
	v10 =	vor.u32 $0x6, v2;
	[sflag:s13] =	ssyncset.done $0x0;
	v5 =	vbroadcast v5, $0x0;
	s16 =	rddreg [dreg:$0x9]  }
0x63: {  	v2 =	vbroadcast v2, $0x0;
	v11 =	vshrl.u32 v11, $0x3;
	v4 =	vbroadcast v4, $0x0;
	[sflag:s13] =	ssyncadd.s32 $0xFFFFE000;
	s6 =	sadd.s32 s6, s16  }
0x64: {  	v6 =	vbroadcast v6, $0x0;
	v7 =	vbroadcast v7, $0x0;
	[tilespmem:s15], [sflag:$0x2] =	stream.linear.gather [hbm4b:s6+s3], $0x80, $0x38;
	v5 =	vor.u32 v3, v5;
	[tilespmem:$0x10200] =	vst v63  }
0x65: {  	v8 =	vbroadcast v8, $0x0;
	v9 =	vbroadcast v9, $0x0;
	v4 =	vor.u32 v3, v4;
	s6 =	simm.s32 @!p0 $0xA  }
0x66: {  	s31 =	smov.u32 s26;
	s26 =	simm.s32 $0x2;
	v10 =	vbroadcast v10, $0x0;
	v11 =	vshll.u32 v11, v1;
	v6 =	vor.u32 v3, v6;
	_ =	swait.ge @!p0 [sflag:s6], $0x2000  }
0x67: {  	s16 =	sand.u32 $0x70, s26;
	v13 =	vor.u32 $0x7, v11;
	v14 =	vor.u32 $0x1, v11;
	v7 =	vor.u32 v3, v7;
	[sflag:s6] =	ssyncset.done @!p0 $0x0  }
0x68: {  	v15 =	vor.u32 $0x2, v11;
	v8 =	vor.u32 v3, v8;
	v12 =	vmov s16;
	[sflag:s6] =	ssyncadd.s32 @!p0 $0xFFFFE000  }
0x69: {  	v9 =	vor.u32 v3, v9;
	v13 =	vbroadcast v13, $0x0;
	v12 =	vshll.u32 v12, $0x6;
	v5 =	vld.idx.msk [tilespmem:v5+s21+$0x0], $0xffff  }
0x6a: {  	v16 =	vor.u32 $0x3, v11;
	v10 =	vor.u32 v3, v10;
	v12 =	vor.u32 v0, v12;
	v4 =	vld.idx.msk [tilespmem:v4+s21+$0x0], $0xffff  }
0x6b: {  	v17 =	vor.u32 $0x4, v11;
	v18 =	vor.u32 $0x5, v11;
	v13 =	vor.u32 v12, v13;
	v6 =	vld.idx.msk [tilespmem:v6+s21+$0x0], $0xffff  }
0x6c: {  	v2 =	vor.u32 v2, v3;
	v14 =	vbroadcast v14, $0x0;
	v15 =	vbroadcast v15, $0x0;
	v7 =	vld.idx.msk [tilespmem:v7+s21+$0x0], $0xffff  }
0x6d: {  	s2 =	sand.u32 $0x1C00, s10;
	s8 =	simm.s32 $0x10;
	v19 =	vor.u32 $0x6, v11;
	v3 =	vbroadcast v16, $0x0;
	v16 =	vbroadcast v17, $0x0;
	v8 =	vld.idx.msk [tilespmem:v8+s21+$0x0], $0xffff  }
0x6e: {  	s17 =	sand.u32 $0x38, s8;
	s13 =	sor.u32 s5, s2;
	v17 =	vld.idx.msk [tilespmem:v9+s21+$0x0], $0xffff;
	v9 =	vor.u32 v12, v14;
	v14 =	vbroadcast v18, $0x0;
	v18 =	vbroadcast v19, $0x0  }
0x6f: {  	s10 =	simm.s32 $0x4;
	v10 =	vld.idx.msk [tilespmem:v10+s21+$0x0], $0xffff;
	v19 =	vbroadcast v11, $0x0;
	v11 =	vor.u32 v12, v15;
	[tilespmem:s13+$0xA580] =	vst v5;
	v5 =	vmov s17  }
0x70: {  	v20 =	vor.u32 v12, v3;
	v21 =	vor.u32 v12, v16;
	s6 =	sand.u32 $0x70, s10;
	v22 =	vld.idx.msk [tilespmem:v13+s21+$0x0], $0xffff;
	[tilespmem:s13+$0xA280] =	vst v4;
	v4 =	vshrl.u32 v5, $0x3  }
0x71: {  	[tilespmem:s13+$0xA300] =	vst v6;
	v6 =	vld.idx.msk [tilespmem:v2+s21+$0x0], $0xffff;
	v2 =	vmov s6;
	v5 =	vor.u32 v12, v14;
	v3 =	vshll.u32 v4, v1  }
0x72: {  	[tilespmem:s13+$0xA380] =	vst v7;
	v2 =	vshll.u32 v2, $0x6;
	v4 =	vor.u32 v12, v18;
	v13 =	vor.u32 $0x7, v3  }
0x73: {  	s2 =	simm.s32 $0x400;
	v7 =	vld.idx.msk [tilespmem:v9+s21+$0x0], $0xffff;
	[tilespmem:s13+$0xA400] =	vst v8;
	v2 =	vor.u32 v0, v2;
	v12 =	vor.u32 v19, v12;
	v24 =	vbroadcast v13, $0x0  }
0x74: {  	s26 =	sshll.u32 s11, $0x7;
	s11 =	sand.u32 $0x1C00, s2;
	v9 =	vld.idx.msk [tilespmem:v11+s21+$0x0], $0xffff;
	[tilespmem:s13+$0xA480] =	vst v17;
	v18 =	vor.u32 $0x1, v3;
	v23 =	vor.u32 $0x2, v3;
	v16 =	vor.u32 $0x3, v3  }
0x75: {  	s12 =	sshll.u32 s12, $0x7;
	s11 =	sor.u32 s16, s11;
	[tilespmem:s13+$0xA500] =	vst v10;
	s17 =	sshll.u32 s17, $0x7;
	v8 =	vld.idx.msk [tilespmem:v20+s21+$0x0], $0xffff;
	v15 =	vor.u32 $0x4, v3;
	v14 =	vor.u32 $0x5, v3;
	v11 =	vor.u32 v2, v24  }
0x76: {  	s13 =	sor.u32 s5, s26;
	s5 =	sor.u32 s16, s12;
	v10 =	vld.idx.msk [tilespmem:v21+s21+$0x0], $0xffff;
	s12 =	sor.u32 s6, s17;
	[tilespmem:s11+$0xA580] =	vst v22;
	v13 =	vor.u32 $0x6, v3;
	v18 =	vbroadcast v18, $0x0;
	v17 =	vbroadcast v23, $0x0  }
.LBB2_5:
0x77: {  	s8 =	sadd.s32 $0x8, s8;
	v16 =	vbroadcast v16, $0x0;
	v15 =	vbroadcast v15, $0x0;
	v19 =	vld.idx.msk [tilespmem:v5+s21+$0x0], $0xffff;
	[tilespmem:s13+$0xA200] =	vst v6;
	s13 =	smov.u32 s5;
	s5 =	smov.u32 s12  }
0x78: {  	v5 =	vbroadcast v14, $0x0;
	v6 =	vbroadcast v13, $0x0;
	s12 =	sand.u32 $0x38, s8;
	p1 =	slt.u32 s8, $0x1F8;
	v18 =	vor.u32 v2, v18;
	v20 =	vld.idx.msk [tilespmem:v4+s21+$0x0], $0xffff  }
0x79: {  	v21 =	vbroadcast v3, $0x0;
	v13 =	vor.u32 v2, v17;
	v4 =	vmov s12;
	s12 =	sshll.u32 s12, $0x7;
	[tilespmem:s11+$0xA280] =	vst v7  }
0x7a: {  	s10 =	sadd.s32 $0x2, s10;
	v17 =	vor.u32 v2, v16;
	v22 =	vor.u32 v2, v15;
	v3 =	vshrl.u32 v4, $0x3;
	v23 =	vld.idx.msk [tilespmem:v11+s21+$0x0], $0xffff;
	[tilespmem:s11+$0xA300] =	vst v9  }
0x7b: {  	s16 =	sand.u32 $0x70, s10;
	v5 =	vor.u32 v2, v5;
	v4 =	vor.u32 v2, v6;
	v3 =	vshll.u32 v3, v1;
	v6 =	vld.idx.msk [tilespmem:v12+s21+$0x0], $0xffff  }
.Ltmp1:
0x7c: {  	v7 =	vmov s16;
	s12 =	sor.u32 s16, s12;
	v12 =	vor.u32 $0x1, v3;
	v9 =	vor.u32 $0x7, v3;
	[tilespmem:s11+$0xA380] =	vst v8;
	(pc) =	sbr.rel @p1 .LBB2_5-.Ltmp1, $4  }
0x7d: {  	s2 =	sadd.s32 $0x400, s2;
	v8 =	vshll.u32 v7, $0x6;
	v24 =	vor.u32 $0x2, v3;
	v11 =	vbroadcast v9, $0x0;
	v7 =	vld.idx.msk [tilespmem:v18+s21+$0x0], $0xffff;
	[tilespmem:s11+$0xA400] =	vst v10  }
0x7e: {  	s17 =	sand.u32 $0x1C00, s2;
	v16 =	vor.u32 $0x3, v3;
	v15 =	vor.u32 $0x4, v3;
	v25 =	vor.u32 v0, v8;
	v9 =	vld.idx.msk [tilespmem:v13+s21+$0x0], $0xffff;
	[tilespmem:s11+$0xA480] =	vst v19  }
0x7f: {  	v14 =	vor.u32 $0x5, v3;
	v13 =	vor.u32 $0x6, v3;
	v11 =	vor.u32 v25, v11;
	v8 =	vld.idx.msk [tilespmem:v17+s21+$0x0], $0xffff;
	[tilespmem:s11+$0xA500] =	vst v20;
	s11 =	sor.u32 s6, s17;
	s6 =	smov.u32 s16  }
0x80: {  	v18 =	vbroadcast v12, $0x0;
	v12 =	vor.u32 v21, v2;
	v2 =	vmovc v25;
	v17 =	vbroadcast v24, $0x0;
	v10 =	vld.idx.msk [tilespmem:v22+s21+$0x0], $0xffff;
	[tilespmem:s11+$0xA580] =	vst v23  }
0x81: {  	_ =	sdelay $0x1  }
0x82: {  	v16 =	vbroadcast v16, $0x0;
	v18 =	vor.u32 v2, v18  }
0x83: {  	v15 =	vbroadcast v15, $0x0;
	[tilespmem:s13+$0xA200] =	vst v6;
	v6 =	vor.u32 v2, v17  }
0x84: {  	v5 =	vld.idx.msk [tilespmem:v5+s21+$0x0], $0xffff;
	v14 =	vbroadcast v14, $0x0;
	[tilespmem:s11+$0xA280] =	vst v7;
	v7 =	vor.u32 v2, v16  }
0x85: {  	v4 =	vld.idx.msk [tilespmem:v4+s21+$0x0], $0xffff;
	v13 =	vbroadcast v13, $0x0;
	v15 =	vor.u32 v2, v15  }
0x86: {  	v11 =	vld.idx.msk [tilespmem:v11+s21+$0x0], $0xffff;
	[tilespmem:s11+$0xA300] =	vst v9;
	v9 =	vor.u32 v2, v14  }
0x87: {  	v3 =	vbroadcast v3, $0x0;
	[tilespmem:s11+$0xA380] =	vst v8;
	v8 =	vor.u32 v2, v13;
	v13 =	vld.idx.msk [tilespmem:v18+s21+$0x0], $0xffff  }
0x88: {  	s2 =	sadd.s32 $0x400, s2;
	[tilespmem:s11+$0xA400] =	vst v10;
	v6 =	vld.idx.msk [tilespmem:v6+s21+$0x0], $0xffff  }
0x89: {  	s2 =	sand.u32 $0x1C00, s2;
	v2 =	vor.u32 v3, v2;
	[tilespmem:s11+$0xA480] =	vst v5;
	v3 =	vld.idx.msk [tilespmem:v7+s21+$0x0], $0xffff  }
0x8a: {  	s2 =	sor.u32 s6, s2;
	[tilespmem:s11+$0xA500] =	vst v4;
	v4 =	vld.idx.msk [tilespmem:v15+s21+$0x0], $0xffff  }
0x8b: {  	[tilespmem:s2+$0xA580] =	vst v11;
	v5 =	vld.idx.msk [tilespmem:v9+s21+$0x0], $0xffff  }
0x8c: {  	v7 =	vld.idx.msk [tilespmem:v8+s21+$0x0], $0xffff;
	[tilespmem:s2+$0xA280] =	vst v13  }
0x8d: {  	v12 =	vld.idx.msk [tilespmem:v12+s21+$0x0], $0xffff;
	[tilespmem:s2+$0xA300] =	vst v6  }
0x8e: {  	v2 =	vld.idx.msk [tilespmem:v2+s21+$0x0], $0xffff;
	[tilespmem:s2+$0xA380] =	vst v3  }
0x8f: {  	s16 =	simm.s32 $0x8;
	[tilespmem:s2+$0xA400] =	vst v4  }
0x90: {  	s11 =	sand.u32 $0x38, s16;
	[tilespmem:s2+$0xA480] =	vst v5  }
0x91: {  	s1 =	sadd.s32 s31, s1;
	v11 =	vmov s11;
	[tilespmem:s2+$0xA500] =	vst v7;
	s2 =	simm.s32 $0x0  }
0x92: {  	s30 =	sadd.s32 s30, s1;
	[tilespmem:s5+$0xA200] =	vst v12;
	v11 =	vshrl.u32 v11, $0x3;
	s10 =	sand.u32 $0x38, s2  }
0x93: {  	s8 =	simm.s32 $0x0;
	s6 =	simm.s32 $0xA200;
	s5 =	sadd.s32 $0x80, s30;
	v11 =	vshll.u32 v11, v1;
	[tilespmem:s12+$0xA200] =	vst v2;
	v2 =	vmov s10  }
0x94: {  	v14 =	vor.u32 $0x1, v11;
	[hbm4b:s5+s28] =	stream.strided.scatter [tilespmem:s6], [sflag:$0xA], $0x2000, s29, s28, $0x38;
	v2 =	vshrl.u32 v2, $0x3;
	[tilespmem:$0x10200] =	vst v63  }
0x95: {  	v15 =	vor.u32 $0x2, v11;
	v16 =	vor.u32 $0x3, v11;
	s5 =	sand.u32 $0x70, s8;
	v2 =	vshll.u32 v2, v1  }
0x96: {  	s26 =	smov.u32 s31;
	v13 =	vor.u32 $0x7, v11;
	s12 =	smin.u32 s9, $0x18F9;
	_ =	swait.ge [sflag:s0], $0x2000;
	v3 =	vmov s5;
	v5 =	vor.u32 $0x7, v2  }
0x97: {  	s2 =	sshll.u32 s12, $0x4;
	[sflag:s0] =	ssyncset.done $0x0;
	v3 =	vshll.u32 v3, $0x6;
	s13 =	rddreg [dreg:$0xa];
	v4 =	vor.u32 $0x1, v2;
	v5 =	vbroadcast v5, $0x0  }
0x98: {  	s31 =	simm.s32 $0x100;
	[sflag:s0] =	ssyncadd.s32 $0xFFFFE000;
	s2 =	sadd.s32 s2, s13;
	v3 =	vor.u32 v0, v3;
	v6 =	vor.u32 $0x2, v2;
	v4 =	vbroadcast v4, $0x0  }
0x99: {  	v7 =	vor.u32 $0x3, v2;
	[tilespmem:s31], [sflag:$0x3] =	stream.linear.gather [hbm4b:s2+s3], $0x80, $0x38;
	v6 =	vbroadcast v6, $0x0;
	v5 =	vor.u32 v3, v5;
	[tilespmem:$0x10200] =	vst v63  }
0x9a: {  	v8 =	vor.u32 $0x4, v2;
	s2 =	simm.s32 @!p0 $0xB;
	v7 =	vbroadcast v7, $0x0;
	v4 =	vor.u32 v3, v4  }
0x9b: {  	s17 =	simm.s32 $0x2;
	v9 =	vor.u32 $0x5, v2;
	v8 =	vbroadcast v8, $0x0;
	_ =	swait.ge @!p0 [sflag:s2], $0x2000;
	v6 =	vor.u32 v3, v6  }
0x9c: {  	s13 =	sand.u32 $0x70, s17;
	v10 =	vor.u32 $0x6, v2;
	v9 =	vbroadcast v9, $0x0;
	[sflag:s2] =	ssyncset.done @!p0 $0x0;
	v7 =	vor.u32 v3, v7  }
0x9d: {  	v12 =	vmov s13;
	v10 =	vbroadcast v10, $0x0;
	v8 =	vor.u32 v3, v8;
	[sflag:s2] =	ssyncadd.s32 @!p0 $0xFFFFE000  }
0x9e: {  	v13 =	vbroadcast v13, $0x0;
	v12 =	vshll.u32 v12, $0x6;
	v9 =	vor.u32 v3, v9;
	v5 =	vld.idx.msk [tilespmem:v5+s23+$0x0], $0xffff  }
0x9f: {  	v2 =	vbroadcast v2, $0x0;
	v12 =	vor.u32 v0, v12;
	v10 =	vor.u32 v3, v10;
	v4 =	vld.idx.msk [tilespmem:v4+s23+$0x0], $0xffff  }
0xa0: {  	v17 =	vor.u32 $0x4, v11;
	v18 =	vor.u32 $0x5, v11;
	v13 =	vor.u32 v12, v13;
	v6 =	vld.idx.msk [tilespmem:v6+s23+$0x0], $0xffff  }
0xa1: {  	v14 =	vbroadcast v14, $0x0;
	v15 =	vbroadcast v15, $0x0;
	v2 =	vor.u32 v2, v3;
	v7 =	vld.idx.msk [tilespmem:v7+s23+$0x0], $0xffff  }
0xa2: {  	s1 =	sand.u32 $0x1C00, s8;
	v19 =	vor.u32 $0x6, v11;
	s6 =	simm.s32 $0x10;
	v3 =	vbroadcast v16, $0x0;
	v16 =	vbroadcast v17, $0x0;
	v8 =	vld.idx.msk [tilespmem:v8+s23+$0x0], $0xffff  }
0xa3: {  	s12 =	sor.u32 s5, s1;
	s16 =	sand.u32 $0x38, s6;
	v17 =	vld.idx.msk [tilespmem:v9+s23+$0x0], $0xffff;
	v9 =	vor.u32 v12, v14;
	v14 =	vbroadcast v18, $0x0;
	v18 =	vbroadcast v19, $0x0  }
0xa4: {  	s8 =	simm.s32 $0x4;
	v10 =	vld.idx.msk [tilespmem:v10+s23+$0x0], $0xffff;
	v19 =	vbroadcast v11, $0x0;
	v11 =	vor.u32 v12, v15;
	[tilespmem:s12+$0xC580] =	vst v5;
	v5 =	vmov s16  }
0xa5: {  	s1 =	sand.u32 $0x70, s8;
	v20 =	vor.u32 v12, v3;
	v21 =	vor.u32 v12, v16;
	v22 =	vld.idx.msk [tilespmem:v13+s23+$0x0], $0xffff;
	[tilespmem:s12+$0xC280] =	vst v4;
	v4 =	vshrl.u32 v5, $0x3  }
0xa6: {  	[tilespmem:s12+$0xC300] =	vst v6;
	v6 =	vld.idx.msk [tilespmem:v2+s23+$0x0], $0xffff;
	v2 =	vmov s1;
	v5 =	vor.u32 v12, v14;
	v3 =	vshll.u32 v4, v1  }
0xa7: {  	[tilespmem:s12+$0xC380] =	vst v7;
	v2 =	vshll.u32 v2, $0x6;
	v4 =	vor.u32 v12, v18;
	v13 =	vor.u32 $0x7, v3  }
0xa8: {  	s2 =	simm.s32 $0x400;
	v7 =	vld.idx.msk [tilespmem:v9+s23+$0x0], $0xffff;
	[tilespmem:s12+$0xC400] =	vst v8;
	v2 =	vor.u32 v0, v2;
	v12 =	vor.u32 v19, v12;
	v24 =	vbroadcast v13, $0x0  }
0xa9: {  	s17 =	sshll.u32 s10, $0x7;
	s10 =	sand.u32 $0x1C00, s2;
	v9 =	vld.idx.msk [tilespmem:v11+s23+$0x0], $0xffff;
	[tilespmem:s12+$0xC480] =	vst v17;
	v18 =	vor.u32 $0x1, v3;
	v23 =	vor.u32 $0x2, v3;
	v16 =	vor.u32 $0x3, v3  }
0xaa: {  	s11 =	sshll.u32 s11, $0x7;
	s10 =	sor.u32 s13, s10;
	[tilespmem:s12+$0xC500] =	vst v10;
	s16 =	sshll.u32 s16, $0x7;
	v8 =	vld.idx.msk [tilespmem:v20+s23+$0x0], $0xffff;
	v15 =	vor.u32 $0x4, v3;
	v14 =	vor.u32 $0x5, v3;
	v11 =	vor.u32 v2, v24  }
0xab: {  	s12 =	sor.u32 s5, s17;
	s5 =	sor.u32 s13, s11;
	v10 =	vld.idx.msk [tilespmem:v21+s23+$0x0], $0xffff;
	[tilespmem:s10+$0xC580] =	vst v22;
	s11 =	sor.u32 s1, s16;
	v13 =	vor.u32 $0x6, v3;
	v18 =	vbroadcast v18, $0x0;
	v17 =	vbroadcast v23, $0x0  }
.LBB2_7:
0xac: {  	s6 =	sadd.s32 $0x8, s6;
	v16 =	vbroadcast v16, $0x0;
	v15 =	vbroadcast v15, $0x0;
	v19 =	vld.idx.msk [tilespmem:v5+s23+$0x0], $0xffff;
	[tilespmem:s12+$0xC200] =	vst v6;
	s12 =	smov.u32 s5;
	s5 =	smov.u32 s11  }
0xad: {  	v5 =	vbroadcast v14, $0x0;
	v6 =	vbroadcast v13, $0x0;
	s11 =	sand.u32 $0x38, s6;
	p1 =	slt.u32 s6, $0x1F8;
	v18 =	vor.u32 v2, v18;
	v20 =	vld.idx.msk [tilespmem:v4+s23+$0x0], $0xffff  }
0xae: {  	v21 =	vbroadcast v3, $0x0;
	v13 =	vor.u32 v2, v17;
	v4 =	vmov s11;
	s11 =	sshll.u32 s11, $0x7;
	[tilespmem:s10+$0xC280] =	vst v7  }
0xaf: {  	s8 =	sadd.s32 $0x2, s8;
	v17 =	vor.u32 v2, v16;
	v22 =	vor.u32 v2, v15;
	v3 =	vshrl.u32 v4, $0x3;
	v23 =	vld.idx.msk [tilespmem:v11+s23+$0x0], $0xffff;
	[tilespmem:s10+$0xC300] =	vst v9  }
0xb0: {  	s13 =	sand.u32 $0x70, s8;
	v5 =	vor.u32 v2, v5;
	v4 =	vor.u32 v2, v6;
	v3 =	vshll.u32 v3, v1;
	v6 =	vld.idx.msk [tilespmem:v12+s23+$0x0], $0xffff  }
.Ltmp2:
0xb1: {  	v7 =	vmov s13;
	s11 =	sor.u32 s13, s11;
	v12 =	vor.u32 $0x1, v3;
	v9 =	vor.u32 $0x7, v3;
	[tilespmem:s10+$0xC380] =	vst v8;
	(pc) =	sbr.rel @p1 .LBB2_7-.Ltmp2, $4  }
0xb2: {  	s2 =	sadd.s32 $0x400, s2;
	v8 =	vshll.u32 v7, $0x6;
	v24 =	vor.u32 $0x2, v3;
	v11 =	vbroadcast v9, $0x0;
	v7 =	vld.idx.msk [tilespmem:v18+s23+$0x0], $0xffff;
	[tilespmem:s10+$0xC400] =	vst v10  }
0xb3: {  	s16 =	sand.u32 $0x1C00, s2;
	v16 =	vor.u32 $0x3, v3;
	v15 =	vor.u32 $0x4, v3;
	v25 =	vor.u32 v0, v8;
	v9 =	vld.idx.msk [tilespmem:v13+s23+$0x0], $0xffff;
	[tilespmem:s10+$0xC480] =	vst v19  }
0xb4: {  	v14 =	vor.u32 $0x5, v3;
	v13 =	vor.u32 $0x6, v3;
	v11 =	vor.u32 v25, v11;
	v8 =	vld.idx.msk [tilespmem:v17+s23+$0x0], $0xffff;
	[tilespmem:s10+$0xC500] =	vst v20;
	s10 =	sor.u32 s1, s16;
	s1 =	smov.u32 s13  }
0xb5: {  	v18 =	vbroadcast v12, $0x0;
	v12 =	vor.u32 v21, v2;
	v2 =	vmovc v25;
	v17 =	vbroadcast v24, $0x0;
	v10 =	vld.idx.msk [tilespmem:v22+s23+$0x0], $0xffff;
	[tilespmem:s10+$0xC580] =	vst v23  }
0xb6: {  	_ =	sdelay $0x2  }
0xb7: {  	v16 =	vbroadcast v16, $0x0;
	v18 =	vor.u32 v2, v18  }
0xb8: {  	v15 =	vbroadcast v15, $0x0;
	v5 =	vld.idx.msk [tilespmem:v5+s23+$0x0], $0xffff;
	[tilespmem:s12+$0xC200] =	vst v6;
	v6 =	vor.u32 v2, v17  }
0xb9: {  	v14 =	vbroadcast v14, $0x0;
	v4 =	vld.idx.msk [tilespmem:v4+s23+$0x0], $0xffff;
	[tilespmem:s10+$0xC280] =	vst v7;
	v7 =	vor.u32 v2, v16  }
0xba: {  	v13 =	vbroadcast v13, $0x0;
	v11 =	vld.idx.msk [tilespmem:v11+s23+$0x0], $0xffff;
	v15 =	vor.u32 v2, v15;
	[tilespmem:s10+$0xC300] =	vst v9  }
0xbb: {  	v3 =	vbroadcast v3, $0x0;
	v12 =	vld.idx.msk [tilespmem:v12+s23+$0x0], $0xffff;
	v9 =	vor.u32 v2, v14;
	[tilespmem:s10+$0xC380] =	vst v8  }
0xbc: {  	s2 =	sadd.s32 $0x400, s2;
	v8 =	vor.u32 v2, v13;
	[tilespmem:s10+$0xC400] =	vst v10;
	v13 =	vld.idx.msk [tilespmem:v18+s23+$0x0], $0xffff  }
0xbd: {  	s2 =	sand.u32 $0x1C00, s2;
	v2 =	vor.u32 v3, v2;
	[tilespmem:s10+$0xC480] =	vst v5;
	v6 =	vld.idx.msk [tilespmem:v6+s23+$0x0], $0xffff  }
0xbe: {  	s1 =	sor.u32 s1, s2;
	[tilespmem:s10+$0xC500] =	vst v4;
	v3 =	vld.idx.msk [tilespmem:v7+s23+$0x0], $0xffff  }
0xbf: {  	[tilespmem:s1+$0xC580] =	vst v11;
	v4 =	vld.idx.msk [tilespmem:v15+s23+$0x0], $0xffff  }
0xc0: {  	[tilespmem:s5+$0xC200] =	vst v12;
	v5 =	vld.idx.msk [tilespmem:v9+s23+$0x0], $0xffff  }
0xc1: {  	v7 =	vld.idx.msk [tilespmem:v8+s23+$0x0], $0xffff;
	[tilespmem:s1+$0xC280] =	vst v13  }
0xc2: {  	v2 =	vld.idx.msk [tilespmem:v2+s23+$0x0], $0xffff;
	[tilespmem:s1+$0xC300] =	vst v6  }
0xc3: {  	[tilespmem:s1+$0xC380] =	vst v3  }
0xc4: {  	[tilespmem:s1+$0xC400] =	vst v4  }
0xc5: {  	s6 =	simm.s32 $0xC200;
	s8 =	simm.s32 $0x0;
	[tilespmem:s1+$0xC480] =	vst v5  }
0xc6: {  	s13 =	simm.s32 $0x8;
	s2 =	simm.s32 $0x0;
	s5 =	sadd.s32 $0x100, s30;
	[tilespmem:s1+$0xC500] =	vst v7  }
0xc7: {  	s10 =	sand.u32 $0x38, s2;
	[tilespmem:s11+$0xC200] =	vst v2;
	s11 =	smin.u32 s9, $0x18F8;
	s9 =	sand.u32 $0x38, s13  }
0xc8: {  	v2 =	vmov s10;
	[hbm4b:s5+s28] =	stream.strided.scatter [tilespmem:s6], [sflag:$0xB], $0x2000, s29, s28, $0x38;
	[tilespmem:$0x10200] =	vst v63  }
0xc9: {  	v2 =	vshrl.u32 v2, $0x3;
	s5 =	sand.u32 $0x70, s8;
	v11 =	vmov s9  }
0xca: {  	v2 =	vshll.u32 v2, v1;
	v3 =	vmov s5;
	v11 =	vshrl.u32 v11, $0x3  }
0xcb: {  	v4 =	vor.u32 $0x1, v2;
	v5 =	vor.u32 $0x7, v2;
	v3 =	vshll.u32 v3, $0x6  }
0xcc: {  	_ =	swait.ge [sflag:s7], $0x2000;
	v6 =	vor.u32 $0x2, v2;
	v7 =	vor.u32 $0x3, v2;
	v8 =	vor.u32 $0x4, v2  }
0xcd: {  	s2 =	sshll.u32 s11, $0x4;
	[sflag:s7] =	ssyncset.done $0x0;
	s6 =	rddreg [dreg:$0xb];
	v9 =	vor.u32 $0x5, v2;
	v10 =	vor.u32 $0x6, v2;
	v5 =	vbroadcast v5, $0x0  }
0xce: {  	s12 =	simm.s32 $0x180;
	v2 =	vbroadcast v2, $0x0;
	[sflag:s7] =	ssyncadd.s32 $0xFFFFE000;
	s2 =	sadd.s32 s2, s6;
	v3 =	vor.u32 v0, v3;
	v4 =	vbroadcast v4, $0x0  }
0xcf: {  	v11 =	vshll.u32 v11, v1;
	v6 =	vbroadcast v6, $0x0;
	[tilespmem:s12], [sflag:$0x4] =	stream.linear.gather [hbm4b:s2+s3], $0x80, $0x38;
	v5 =	vor.u32 v3, v5;
	[tilespmem:$0x10200] =	vst v63  }
0xd0: {  	v7 =	vbroadcast v7, $0x0;
	v8 =	vbroadcast v8, $0x0;
	s2 =	simm.s32 @!p0 $0xC;
	v4 =	vor.u32 v3, v4  }
0xd1: {  	s16 =	simm.s32 $0x2;
	v9 =	vbroadcast v9, $0x0;
	v10 =	vbroadcast v10, $0x0;
	_ =	swait.ge @!p0 [sflag:s2], $0x2000;
	v6 =	vor.u32 v3, v6  }
0xd2: {  	v13 =	vor.u32 $0x7, v11;
	v14 =	vor.u32 $0x1, v11;
	s12 =	sand.u32 $0x70, s16;
	v7 =	vor.u32 v3, v7;
	[sflag:s2] =	ssyncset.done @!p0 $0x0  }
0xd3: {  	v15 =	vor.u32 $0x2, v11;
	v8 =	vor.u32 v3, v8;
	v12 =	vmov s12;
	[sflag:s2] =	ssyncadd.s32 @!p0 $0xFFFFE000  }
0xd4: {  	v13 =	vbroadcast v13, $0x0;
	v9 =	vor.u32 v3, v9;
	v12 =	vshll.u32 v12, $0x6;
	v5 =	vld.idx.msk [tilespmem:v5+s25+$0x0], $0xffff  }
0xd5: {  	v16 =	vor.u32 $0x3, v11;
	v10 =	vor.u32 v3, v10;
	v12 =	vor.u32 v0, v12;
	v4 =	vld.idx.msk [tilespmem:v4+s25+$0x0], $0xffff  }
0xd6: {  	v17 =	vor.u32 $0x4, v11;
	v18 =	vor.u32 $0x5, v11;
	v13 =	vor.u32 v12, v13;
	v6 =	vld.idx.msk [tilespmem:v6+s25+$0x0], $0xffff  }
0xd7: {  	v14 =	vbroadcast v14, $0x0;
	v15 =	vbroadcast v15, $0x0;
	v2 =	vor.u32 v2, v3;
	v7 =	vld.idx.msk [tilespmem:v7+s25+$0x0], $0xffff  }
0xd8: {  	s1 =	sand.u32 $0x1C00, s8;
	v19 =	vor.u32 $0x6, v11;
	s6 =	simm.s32 $0x10;
	v3 =	vbroadcast v16, $0x0;
	v16 =	vbroadcast v17, $0x0;
	v8 =	vld.idx.msk [tilespmem:v8+s25+$0x0], $0xffff  }
0xd9: {  	s17 =	sor.u32 s5, s1;
	s13 =	sand.u32 $0x38, s6;
	v17 =	vld.idx.msk [tilespmem:v9+s25+$0x0], $0xffff;
	v9 =	vor.u32 v12, v14;
	v14 =	vbroadcast v18, $0x0;
	v18 =	vbroadcast v19, $0x0  }
0xda: {  	s8 =	simm.s32 $0x4;
	v10 =	vld.idx.msk [tilespmem:v10+s25+$0x0], $0xffff;
	v19 =	vbroadcast v11, $0x0;
	v11 =	vor.u32 v12, v15;
	[tilespmem:s17+$0xE580] =	vst v5;
	v5 =	vmov s13  }
0xdb: {  	s1 =	sand.u32 $0x70, s8;
	v20 =	vor.u32 v12, v3;
	v21 =	vor.u32 v12, v16;
	v22 =	vld.idx.msk [tilespmem:v13+s25+$0x0], $0xffff;
	[tilespmem:s17+$0xE280] =	vst v4;
	v4 =	vshrl.u32 v5, $0x3  }
0xdc: {  	[tilespmem:s17+$0xE300] =	vst v6;
	v6 =	vld.idx.msk [tilespmem:v2+s25+$0x0], $0xffff;
	v2 =	vmov s1;
	v5 =	vor.u32 v12, v14;
	v3 =	vshll.u32 v4, v1  }
0xdd: {  	[tilespmem:s17+$0xE380] =	vst v7;
	v2 =	vshll.u32 v2, $0x6;
	v4 =	vor.u32 v12, v18;
	v13 =	vor.u32 $0x7, v3  }
0xde: {  	s2 =	simm.s32 $0x400;
	v7 =	vld.idx.msk [tilespmem:v9+s25+$0x0], $0xffff;
	[tilespmem:s17+$0xE400] =	vst v8;
	v2 =	vor.u32 v0, v2;
	v12 =	vor.u32 v19, v12;
	v24 =	vbroadcast v13, $0x0  }
0xdf: {  	s10 =	sshll.u32 s10, $0x7;
	s16 =	sand.u32 $0x1C00, s2;
	v9 =	vld.idx.msk [tilespmem:v11+s25+$0x0], $0xffff;
	[tilespmem:s17+$0xE480] =	vst v17;
	v18 =	vor.u32 $0x1, v3;
	v23 =	vor.u32 $0x2, v3;
	v16 =	vor.u32 $0x3, v3  }
0xe0: {  	[tilespmem:s17+$0xE500] =	vst v10;
	s17 =	sshll.u32 s9, $0x7;
	s13 =	sshll.u32 s13, $0x7;
	s9 =	sor.u32 s12, s16;
	v8 =	vld.idx.msk [tilespmem:v20+s25+$0x0], $0xffff;
	v15 =	vor.u32 $0x4, v3;
	v14 =	vor.u32 $0x5, v3;
	v11 =	vor.u32 v2, v24  }
0xe1: {  	s11 =	sor.u32 s5, s10;
	v10 =	vld.idx.msk [tilespmem:v21+s25+$0x0], $0xffff;
	s5 =	sor.u32 s12, s17;
	s10 =	sor.u32 s1, s13;
	[tilespmem:s9+$0xE580] =	vst v22;
	v13 =	vor.u32 $0x6, v3;
	v18 =	vbroadcast v18, $0x0;
	v17 =	vbroadcast v23, $0x0  }
.LBB2_9:
0xe2: {  	s6 =	sadd.s32 $0x8, s6;
	v16 =	vbroadcast v16, $0x0;
	v15 =	vbroadcast v15, $0x0;
	v19 =	vld.idx.msk [tilespmem:v5+s25+$0x0], $0xffff;
	[tilespmem:s11+$0xE200] =	vst v6;
	s11 =	smov.u32 s5;
	s5 =	smov.u32 s10  }
0xe3: {  	v5 =	vbroadcast v14, $0x0;
	v6 =	vbroadcast v13, $0x0;
	s10 =	sand.u32 $0x38, s6;
	p0 =	slt.u32 s6, $0x1F8;
	v18 =	vor.u32 v2, v18;
	v20 =	vld.idx.msk [tilespmem:v4+s25+$0x0], $0xffff  }
0xe4: {  	v21 =	vbroadcast v3, $0x0;
	v13 =	vor.u32 v2, v17;
	v4 =	vmov s10;
	s10 =	sshll.u32 s10, $0x7;
	[tilespmem:s9+$0xE280] =	vst v7  }
0xe5: {  	s8 =	sadd.s32 $0x2, s8;
	v17 =	vor.u32 v2, v16;
	v22 =	vor.u32 v2, v15;
	v3 =	vshrl.u32 v4, $0x3;
	v23 =	vld.idx.msk [tilespmem:v11+s25+$0x0], $0xffff;
	[tilespmem:s9+$0xE300] =	vst v9  }
0xe6: {  	s12 =	sand.u32 $0x70, s8;
	v5 =	vor.u32 v2, v5;
	v4 =	vor.u32 v2, v6;
	v3 =	vshll.u32 v3, v1;
	v6 =	vld.idx.msk [tilespmem:v12+s25+$0x0], $0xffff  }
.Ltmp3:
0xe7: {  	v7 =	vmov s12;
	s10 =	sor.u32 s12, s10;
	v12 =	vor.u32 $0x1, v3;
	v9 =	vor.u32 $0x7, v3;
	[tilespmem:s9+$0xE380] =	vst v8;
	(pc) =	sbr.rel @p0 .LBB2_9-.Ltmp3, $4  }
0xe8: {  	s2 =	sadd.s32 $0x400, s2;
	v8 =	vshll.u32 v7, $0x6;
	v24 =	vor.u32 $0x2, v3;
	v11 =	vbroadcast v9, $0x0;
	v7 =	vld.idx.msk [tilespmem:v18+s25+$0x0], $0xffff;
	[tilespmem:s9+$0xE400] =	vst v10  }
0xe9: {  	s13 =	sand.u32 $0x1C00, s2;
	v16 =	vor.u32 $0x3, v3;
	v15 =	vor.u32 $0x4, v3;
	v25 =	vor.u32 v0, v8;
	v9 =	vld.idx.msk [tilespmem:v13+s25+$0x0], $0xffff;
	[tilespmem:s9+$0xE480] =	vst v19  }
0xea: {  	v14 =	vor.u32 $0x5, v3;
	v13 =	vor.u32 $0x6, v3;
	v11 =	vor.u32 v25, v11;
	v8 =	vld.idx.msk [tilespmem:v17+s25+$0x0], $0xffff;
	[tilespmem:s9+$0xE500] =	vst v20;
	s9 =	sor.u32 s1, s13;
	s1 =	smov.u32 s12  }
0xeb: {  	v18 =	vbroadcast v12, $0x0;
	v12 =	vor.u32 v21, v2;
	v2 =	vmovc v25;
	v17 =	vbroadcast v24, $0x0;
	v10 =	vld.idx.msk [tilespmem:v22+s25+$0x0], $0xffff;
	[tilespmem:s9+$0xE580] =	vst v23  }
0xec: {  	_ =	sdelay $0x2  }
0xed: {  	v16 =	vbroadcast v16, $0x0;
	v18 =	vor.u32 v2, v18  }
0xee: {  	v15 =	vbroadcast v15, $0x0;
	v5 =	vld.idx.msk [tilespmem:v5+s25+$0x0], $0xffff;
	[tilespmem:s11+$0xE200] =	vst v6;
	v56 =	vor.u32 v2, v17  }
0xef: {  	v14 =	vbroadcast v14, $0x0;
	v4 =	vld.idx.msk [tilespmem:v4+s25+$0x0], $0xffff;
	[tilespmem:s9+$0xE280] =	vst v7;
	v57 =	vor.u32 v2, v16  }
0xf0: {  	v13 =	vbroadcast v13, $0x0;
	v11 =	vld.idx.msk [tilespmem:v11+s25+$0x0], $0xffff;
	v15 =	vor.u32 v2, v15;
	[tilespmem:s9+$0xE300] =	vst v9  }
0xf1: {  	v3 =	vbroadcast v3, $0x0;
	v12 =	vld.idx.msk [tilespmem:v12+s25+$0x0], $0xffff;
	v58 =	vor.u32 v2, v14;
	[tilespmem:s9+$0xE380] =	vst v8  }
0xf2: {  	s2 =	sadd.s32 $0x400, s2;
	v59 =	vor.u32 v2, v13;
	[tilespmem:s9+$0xE400] =	vst v10;
	v60 =	vld.idx.msk [tilespmem:v18+s25+$0x0], $0xffff  }
0xf3: {  	s2 =	sand.u32 $0x1C00, s2;
	v2 =	vor.u32 v3, v2;
	[tilespmem:s9+$0xE480] =	vst v5;
	v6 =	vld.idx.msk [tilespmem:v56+s25+$0x0], $0xffff  }
0xf4: {  	s1 =	sor.u32 s1, s2;
	[tilespmem:s9+$0xE500] =	vst v4;
	v3 =	vld.idx.msk [tilespmem:v57+s25+$0x0], $0xffff  }
0xf5: {  	[tilespmem:s1+$0xE580] =	vst v11;
	v61 =	vld.idx.msk [tilespmem:v15+s25+$0x0], $0xffff  }
0xf6: {  	[tilespmem:s5+$0xE200] =	vst v12;
	v62 =	vld.idx.msk [tilespmem:v58+s25+$0x0], $0xffff  }
0xf7: {  	v63 =	vld.idx.msk [tilespmem:v59+s25+$0x0], $0xffff;
	[tilespmem:s1+$0xE280] =	vst v60  }
0xf8: {  	s14 =	sadd.s32 $0x1, s14;
	v2 =	vld.idx.msk [tilespmem:v2+s25+$0x0], $0xffff;
	[tilespmem:s1+$0xE300] =	vst v6  }
0xf9: {  	p0 =	sne.s32 s14, $0x32;
	[tilespmem:s1+$0xE380] =	vst v3  }
.Ltmp4:
0xfa: {  	[tilespmem:s1+$0xE400] =	vst v61;
	(pc) =	sbr.rel @p0 .LBB2_2-.Ltmp4, $4  }
0xfb: {  	[tilespmem:s1+$0xE480] =	vst v62  }
0xfc: {  	[tilespmem:s1+$0xE500] =	vst v63  }
0xfd: {  	s17 =	sadd.s32 $0x180, s30;
	s30 =	simm.s32 $0xE200;
	[tilespmem:s10+$0xE200] =	vst v2  }
0xfe: {  	[hbm4b:s17+s28] =	stream.strided.scatter [tilespmem:s30], [sflag:$0xC], $0x2000, s29, s28, $0x38;
	[tilespmem:$0x10200] =	vst v63  }
0xff: {  	s1 =	simm.s32 $0x9  }
0x100: {  	_ =	swait.ge [sflag:s1], $0x2000  }
0x101: {  	[sflag:s1] =	ssyncset.done $0x0  }
0x102: {  	[sflag:s1] =	ssyncadd.s32 $0xFFFFE000  }
0x103: {  	_ =	swait.ge [sflag:s18], $0x80  }
0x104: {  	[sflag:s18] =	ssyncset.done $0x0  }
0x105: {  	s14 =	simm.s32 $0xA;
	[sflag:s18] =	ssyncadd.s32 $0xFFFFFF80  }
0x106: {  	_ =	swait.ge [sflag:s14], $0x2000  }
0x107: {  	[sflag:s14] =	ssyncset.done $0x0  }
0x108: {  	[sflag:s14] =	ssyncadd.s32 $0xFFFFE000  }
0x109: {  	_ =	swait.ge [sflag:s20], $0x80  }
0x10a: {  	[sflag:s20] =	ssyncset.done $0x0  }
0x10b: {  	s16 =	simm.s32 $0xB;
	[sflag:s20] =	ssyncadd.s32 $0xFFFFFF80  }
0x10c: {  	_ =	swait.ge [sflag:s16], $0x2000  }
0x10d: {  	[sflag:s16] =	ssyncset.done $0x0  }
0x10e: {  	[sflag:s16] =	ssyncadd.s32 $0xFFFFE000  }
0x10f: {  	_ =	swait.ge [sflag:s22], $0x80  }
0x110: {  	[sflag:s22] =	ssyncset.done $0x0  }
0x111: {  	s17 =	simm.s32 $0xC;
	[sflag:s22] =	ssyncadd.s32 $0xFFFFFF80  }
0x112: {  	_ =	swait.ge [sflag:s17], $0x2000  }
0x113: {  	[sflag:s17] =	ssyncset.done $0x0  }
0x114: {  	[sflag:s17] =	ssyncadd.s32 $0xFFFFE000  }
0x115: {  	_ =	swait.ge [sflag:s24], $0x80  }
0x116: {  	s2 =	rddreg [dreg:$0xd]  }
0x117: {  	s30 =	rddreg [dreg:$0xc];
	s2 =	sadd.s32 $0x1, s2  }
0x118: {  	p0 =	sne.s32 s2, s30  }
.Ltmp5:
0x119: {  	_ = 	snop;
	(pc) =	sbr.rel @p0 .LBB2_1-.Ltmp5, $3  }
0x11a: {  	_ =	sdelay $0x1  }
0x11b: {  	[sflag:s24] =	ssyncset.done $0x0  }
0x11c: {  	[sflag:s24] =	ssyncadd.s32 $0xFFFFFF80  }
0x11d: {  	_ =	sfence.sel $0x180000  }
0x11e: {  	[bflag:$0x0] =	sbarrier.arrive $0xFFFF  }
0x11f: {  	_ =	strace $0x90000047  }
0x120: {  	s0 =	stileid.u32;
	[bflag:$0x2] =	sbarrier.arrive $0xFFFF  }
0x121: {  	p0 =	sne.s32 s0, $0x0;
	s0 =	rddreg [dreg:$0x2]  }
0x122: {  	s0 =	sadd.s32 @!p0 $0x100000, s0  }
0x123: {  	[sflag:s0] =	ssyncadd.tile.s32 @!p0 $0x1;
	_ =	shalt  }
.Lfunc_end2:
_tile_overlayer_lowered:
.L_overlay_start_2:
0x124: {  	(tag) =	ssettag $0x2  }
0x125: {  	s0 =	rddreg [dreg:$0x0];
	s2 =	stileid.u32  }
0x126: {  	s1 =	rddreg [dreg:$0x1];
	p0 =	sne.s32 s2, $0x0  }
0x127: {  	s3 =	rddreg [dreg:$0x2];
	[bflag:$0x3] =	sbarrier.arrive $0xFFFF;
	s2 =	simm.s32 @!p0 $0x1C0D  }
0x128: {  	[timem:s3], [sflag:s2] =	dma.local @!p0 [hbm:s0], s1  }
0x129: {  	s0 =	simm.s32 @!p0 $0xD  }
0x12a: {  	_ =	swait.ge @!p0 [sflag:s0], s1  }
0x12b: {  	s1 =	ssub.s32 @!p0 $0x0, s1;
	[sflag:s0] =	ssyncset.done @!p0 $0x0  }
0x12c: {  	[sflag:s0] =	ssyncadd.s32 @!p0 s1  }
0x12d: {  	[bflag:$0x3] =	sbarrier.arrive $0xFFFF  }
0x12e: {  	_ =	shalt  }

</sc_bundles>
